<compile_context>
chip_gen: v7x
topology: tpu7x:2x2x1
jax: 0.10.2.dev20260603
libtpu: 0.0.44.dev20260713+nightly
codegen_flags: <defaults>
</compile_context>

<pallas_src>
import functools

import jax
import jax.numpy as jnp
from jax import lax
from jax.experimental import pallas as pl
from jax.experimental.pallas import tpu as pltpu
from jax.experimental.pallas import tpu_sc as plsc

H = 64
EH = 128
NRBF = 50
GAP = 0.1
NGRAPH = 512
STEPS = 6
S2S_STEPS = 6

_NC = 2
_NS = 16
_NW = _NC * _NS
_CHUNK = 128

_INTERPRET = False



@functools.lru_cache(maxsize=None)
def _sc_gather_fn(n_chunks, d):
    iters = -(-n_chunks // _NW)
    mesh = plsc.VectorSubcoreMesh(core_axis_name="c", subcore_axis_name="s")

    @functools.partial(
        pl.kernel, mesh=mesh,
        out_type=jax.ShapeDtypeStruct((n_chunks * _CHUNK, d), jnp.float32),
        scratch_types=[
            pltpu.VMEM((_CHUNK,), jnp.int32),
            pltpu.VMEM((_CHUNK, d), jnp.float32),
            pltpu.SemaphoreType.DMA,
        ],
    )
    def k(table_h, idx_h, out_h, idx_v, rows_v, sem):
        wid = lax.axis_index("s") * _NC + lax.axis_index("c")

        def body(j, carry):
            q = wid + _NW * j

            @pl.when(q < n_chunks)
            def _():
                pltpu.sync_copy(idx_h.at[q], idx_v)
                pltpu.async_copy(table_h.at[idx_v], rows_v, sem).wait()
                pltpu.sync_copy(rows_v, out_h.at[pl.ds(q * _CHUNK, _CHUNK)])

            return carry

        lax.fori_loop(0, iters, body, 0)

    return k


def _sc_gather(table, idx2d):
    return _sc_gather_fn(idx2d.shape[0], table.shape[1])(table, idx2d)


@functools.lru_cache(maxsize=None)
def _sc_segsum_fn(n_chunks, nrows, d):
    iters = -(-n_chunks // _NW)
    rows_per_sub = 1000
    n_sub_rows = nrows // rows_per_sub
    mesh = plsc.VectorSubcoreMesh(core_axis_name="c", subcore_axis_name="s")

    @functools.partial(
        pl.kernel, mesh=mesh,
        out_type=jax.ShapeDtypeStruct((_NC, nrows, d), jnp.float32),
        scratch_types=[
            pltpu.VMEM((_CHUNK,), jnp.int32),
            pltpu.VMEM((_CHUNK, d), jnp.float32),
            pltpu.VMEM_SHARED((nrows, d), jnp.float32),
        ],
    )
    def k(vals_h, idx_h, zeros_h, out_h, idx_v, rows_v, acc_s):
        c = lax.axis_index("c")
        s = lax.axis_index("s")
        wid = s * _NC + c
        @pl.when(s < n_sub_rows)
        def _():
            pltpu.sync_copy(zeros_h,
                            acc_s.at[pl.ds(s * rows_per_sub, rows_per_sub)])

        plsc.subcore_barrier()

        def body(j, carry):
            q = wid + _NW * j

            @pl.when(q < n_chunks)
            def _():
                pltpu.sync_copy(idx_h.at[q], idx_v)
                pltpu.sync_copy(vals_h.at[pl.ds(q * _CHUNK, _CHUNK)], rows_v)
                pltpu.sync_copy(rows_v, acc_s.at[idx_v], add=True)

            return carry

        lax.fori_loop(0, iters, body, 0)
        plsc.subcore_barrier()

        @pl.when(s < n_sub_rows)
        def _():
            pltpu.sync_copy(
                acc_s.at[pl.ds(s * rows_per_sub, rows_per_sub)],
                out_h.at[c, pl.ds(s * rows_per_sub, rows_per_sub)],
            )

    return k


def _sc_segsum(vals, idx2d, zeros_sub, nrows):
    return _sc_segsum_fn(idx2d.shape[0], nrows, vals.shape[1])(vals, idx2d, zeros_sub)



def _h0_body(x_ref, w_ref, b_ref, o_ref):
    o_ref[...] = jax.nn.relu(
        jnp.dot(x_ref[...], w_ref[...], preferred_element_type=jnp.float32)
        + b_ref[...])


def _tc_h0(x, w0t, b0):
    n, f = x.shape
    nb = 400
    return pl.pallas_call(
        _h0_body,
        grid=(n // nb,),
        in_specs=[
            pl.BlockSpec((nb, f), lambda i: (i, 0)),
            pl.BlockSpec((f, H), lambda i: (0, 0)),
            pl.BlockSpec((1, H), lambda i: (0, 0)),
        ],
        out_specs=pl.BlockSpec((nb, H), lambda i: (i, 0)),
        out_shape=jax.ShapeDtypeStruct((n, H), jnp.float32),
        interpret=_INTERPRET,
    )(x, w0t, b0)


def _edge_net_body(ea_ref, w1a_ref, w1b_ref, b1_ref, w2_ref, b2_ref, o_ref):
    ea = ea_ref[...]
    d = ea[:, 15:16]
    centers = lax.broadcasted_iota(jnp.int32, (1, NRBF), 1).astype(jnp.float32) * GAP
    rbf = jnp.exp(-((d - centers) ** 2) / (GAP * GAP))
    hid = jax.nn.relu(
        jnp.dot(ea[:, :15], w1a_ref[...], preferred_element_type=jnp.float32)
        + jnp.dot(rbf, w1b_ref[...], preferred_element_type=jnp.float32)
        + b1_ref[...])
    o_ref[...] = (
        jnp.dot(hid, w2_ref[...], preferred_element_type=jnp.float32)
        + b2_ref[...])


def _tc_edge_net(edge_attr, w1at, w1bt, be1, w2t, be2):
    e = edge_attr.shape[0]
    eb = 320
    return pl.pallas_call(
        _edge_net_body,
        grid=(e // eb,),
        in_specs=[
            pl.BlockSpec((eb, 16), lambda i: (i, 0)),
            pl.BlockSpec((15, EH), lambda i: (0, 0)),
            pl.BlockSpec((NRBF, EH), lambda i: (0, 0)),
            pl.BlockSpec((1, EH), lambda i: (0, 0)),
            pl.BlockSpec((EH, H * H), lambda i: (0, 0)),
            pl.BlockSpec((1, H * H), lambda i: (0, 0)),
        ],
        out_specs=pl.BlockSpec((eb, H * H), lambda i: (i, 0)),
        out_shape=jax.ShapeDtypeStruct((e, H * H), jnp.float32),
        interpret=_INTERPRET,
    )(edge_attr, w1at, w1bt, be1, w2t, be2)


def _bmm_body(xj_ref, r_ref, w_ref, o_ref):
    w = w_ref[...]
    m = jnp.dot(xj_ref[...], r_ref[...], preferred_element_type=jnp.float32)
    acc = m[:, 0:2 * H] * w[:, 0:2 * H]
    for i in range(1, H // 2):
        sl = slice(i * 2 * H, (i + 1) * 2 * H)
        acc = acc + m[:, sl] * w[:, sl]
    o_ref[:, 0:H] = acc[:, 0:H] + acc[:, H:2 * H]
    o_ref[:, H:2 * H] = jnp.zeros((acc.shape[0], H), jnp.float32)


def _pair_expand_mat():
    c = jnp.arange(H * H)
    k = 2 * (c // (2 * H)) + (c % (2 * H) >= H)
    return (jnp.arange(2 * H)[:, None] == k[None, :]).astype(jnp.float32)


def _tc_bmm(xj, rmat, w):
    e = xj.shape[0]
    eb = 256
    return pl.pallas_call(
        _bmm_body,
        grid=(e // eb,),
        in_specs=[
            pl.BlockSpec((eb, 2 * H), lambda i: (i, 0)),
            pl.BlockSpec((2 * H, H * H), lambda i: (0, 0)),
            pl.BlockSpec((eb, H * H), lambda i: (i, 0)),
        ],
        out_specs=pl.BlockSpec((eb, 2 * H), lambda i: (i, 0)),
        out_shape=jax.ShapeDtypeStruct((e, 2 * H), jnp.float32),
        interpret=_INTERPRET,
    )(xj, rmat, w)


def _invcnt_body(ca_ref, cb_ref, o_ref):
    o_ref[...] = 1.0 / jnp.maximum(ca_ref[...] + cb_ref[...], 1.0)


def _tc_invcnt(ca, cb):
    n = ca.shape[0]
    nb = 400
    return pl.pallas_call(
        _invcnt_body,
        grid=(n // nb,),
        in_specs=[
            pl.BlockSpec((nb, H), lambda i: (i, 0)),
            pl.BlockSpec((nb, H), lambda i: (i, 0)),
        ],
        out_specs=pl.BlockSpec((nb, H), lambda i: (i, 0)),
        out_shape=jax.ShapeDtypeStruct((n, H), jnp.float32),
        interpret=_INTERPRET,
    )(ca, cb)


def _gru_body(aa_ref, ab_ref, inv_ref, h_ref, bc_ref, wih_ref, whh_ref,
              bih_ref, bhh_ref, o_ref):
    m = jax.nn.relu((aa_ref[...] + ab_ref[...]) * inv_ref[...] + bc_ref[...])
    h = h_ref[...]
    gi = jnp.dot(m, wih_ref[...], preferred_element_type=jnp.float32) + bih_ref[...]
    gh = jnp.dot(h, whh_ref[...], preferred_element_type=jnp.float32) + bhh_ref[...]
    r = jax.nn.sigmoid(gi[:, 0:H] + gh[:, 0:H])
    z = jax.nn.sigmoid(gi[:, H:2 * H] + gh[:, H:2 * H])
    nn = jnp.tanh(gi[:, 2 * H:3 * H] + r * gh[:, 2 * H:3 * H])
    o_ref[...] = (1.0 - z) * nn + z * h


def _tc_gru(aa, ab, inv, h, bc, wiht, whht, bih, bhh):
    n = h.shape[0]
    nb = 400
    return pl.pallas_call(
        _gru_body,
        grid=(n // nb,),
        in_specs=[
            pl.BlockSpec((nb, H), lambda i: (i, 0)),
            pl.BlockSpec((nb, H), lambda i: (i, 0)),
            pl.BlockSpec((nb, H), lambda i: (i, 0)),
            pl.BlockSpec((nb, H), lambda i: (i, 0)),
            pl.BlockSpec((1, H), lambda i: (0, 0)),
            pl.BlockSpec((H, 3 * H), lambda i: (0, 0)),
            pl.BlockSpec((H, 3 * H), lambda i: (0, 0)),
            pl.BlockSpec((1, 3 * H), lambda i: (0, 0)),
            pl.BlockSpec((1, 3 * H), lambda i: (0, 0)),
        ],
        out_specs=pl.BlockSpec((nb, H), lambda i: (i, 0)),
        out_shape=jax.ShapeDtypeStruct((n, H), jnp.float32),
        interpret=_INTERPRET,
    )(aa, ab, inv, h, bc, wiht, whht, bih, bhh)


def _s2s_body(out_ref, batch_ref, wia_ref, wib_ref, whh_ref, bi_ref, bh_ref,
              w1a_ref, w1b_ref, b1_ref, w2_ref, b2_ref, y_ref):
    n = out_ref.shape[0]
    nb = 2000
    nblk = n // nb
    gio = lax.broadcasted_iota(jnp.int32, (nb, NGRAPH), 1)

    def s2s_step(_, carry):
        q, r_read, hs, cs = carry
        gates = (jnp.dot(q, wia_ref[...], preferred_element_type=jnp.float32)
                 + jnp.dot(r_read, wib_ref[...], preferred_element_type=jnp.float32)
                 + jnp.dot(hs, whh_ref[...], preferred_element_type=jnp.float32)
                 + bi_ref[...] + bh_ref[...])
        ig = jax.nn.sigmoid(gates[:, 0:H])
        fg = jax.nn.sigmoid(gates[:, H:2 * H])
        gg = jnp.tanh(gates[:, 2 * H:3 * H])
        og = jax.nn.sigmoid(gates[:, 3 * H:4 * H])
        cs = fg * cs + ig * gg
        hs = og * jnp.tanh(cs)
        q = hs

        def p1(b, emax):
            sl = pl.ds(b * nb, nb)
            mask = (batch_ref[sl, :] == gio).astype(jnp.float32)
            qb = jnp.dot(mask, q, preferred_element_type=jnp.float32)
            e_b = jnp.sum(out_ref[sl, :] * qb, axis=1, keepdims=True)
            masked = jnp.where(mask > 0.0, e_b, -1e30)
            return jnp.maximum(emax, jnp.max(masked, axis=0, keepdims=True))

        emax = lax.fori_loop(0, nblk, p1,
                             jnp.full((1, NGRAPH), -1e30, jnp.float32))

        def p2(b, c2):
            denom, num = c2
            sl = pl.ds(b * nb, nb)
            mask = (batch_ref[sl, :] == gio).astype(jnp.float32)
            qb = jnp.dot(mask, q, preferred_element_type=jnp.float32)
            e_b = jnp.sum(out_ref[sl, :] * qb, axis=1, keepdims=True)
            emax_b = jnp.sum(mask * emax, axis=1, keepdims=True)
            ee_b = jnp.exp(e_b - emax_b)
            denom = denom + lax.dot_general(
                mask, ee_b, (((0,), (0,)), ((), ())),
                preferred_element_type=jnp.float32)
            num = num + lax.dot_general(
                mask * ee_b, out_ref[sl, :], (((0,), (0,)), ((), ())),
                preferred_element_type=jnp.float32)
            return denom, num

        denom, num = lax.fori_loop(
            0, nblk, p2, (jnp.zeros((NGRAPH, 1), jnp.float32),
                          jnp.zeros((NGRAPH, H), jnp.float32)))
        r_read = num / jnp.maximum(denom, 1e-30)
        return q, r_read, hs, cs

    zg = jnp.zeros((NGRAPH, H), jnp.float32)
    q, r_read, hs, cs = lax.fori_loop(0, S2S_STEPS, s2s_step, (zg, zg, zg, zg))
    y1 = jax.nn.relu(
        jnp.dot(q, w1a_ref[...], preferred_element_type=jnp.float32)
        + jnp.dot(r_read, w1b_ref[...], preferred_element_type=jnp.float32)
        + b1_ref[...])
    y_ref[...] = (
        jnp.dot(y1, w2_ref[...], preferred_element_type=jnp.float32)
        + b2_ref[...])


def _tc_s2s(out, batch_col, wiat, wibt, whht, bih, bhh, w1at, w1bt, b1, w2t, b2):
    n = out.shape[0]
    odim = w2t.shape[1]
    return pl.pallas_call(
        _s2s_body,
        in_specs=[
            pl.BlockSpec((n, H), lambda: (0, 0)),
            pl.BlockSpec((n, 1), lambda: (0, 0)),
            pl.BlockSpec((H, 4 * H), lambda: (0, 0)),
            pl.BlockSpec((H, 4 * H), lambda: (0, 0)),
            pl.BlockSpec((H, 4 * H), lambda: (0, 0)),
            pl.BlockSpec((1, 4 * H), lambda: (0, 0)),
            pl.BlockSpec((1, 4 * H), lambda: (0, 0)),
            pl.BlockSpec((H, H), lambda: (0, 0)),
            pl.BlockSpec((H, H), lambda: (0, 0)),
            pl.BlockSpec((1, H), lambda: (0, 0)),
            pl.BlockSpec((H, odim), lambda: (0, 0)),
            pl.BlockSpec((1, odim), lambda: (0, 0)),
        ],
        out_specs=pl.BlockSpec((NGRAPH, odim), lambda: (0, 0)),
        out_shape=jax.ShapeDtypeStruct((NGRAPH, odim), jnp.float32),
        interpret=_INTERPRET,
    )(out, batch_col, wiat, wibt, whht, bih, bhh, w1at, w1bt, b1, w2t, b2)



def kernel(x, edge_attr, edge_index, batch, W0, b0, We1, be1, We2, be2,
           b_conv, gru_Wih, gru_Whh, gru_bih, gru_bhh, lstm_Wih, lstm_Whh,
           lstm_bih, lstm_bhh, W1, b1, W2, b2):
    n = x.shape[0]
    e = edge_attr.shape[0]

    src2 = edge_index[0].reshape(-1, _CHUNK)
    dst2 = edge_index[1].reshape(-1, _CHUNK)
    batch_col = batch[:, None]
    zeros_sub = jnp.zeros((1000, 2 * H), jnp.float32)
    ones_e = jnp.ones((e, 2 * H), jnp.float32)
    pad_n = jnp.zeros((n, H), jnp.float32)

    w0t = W0.T
    w1at = We1[:, :15].T
    w1bt = We1[:, 15:].T
    we2t = We2.T
    wiht = gru_Wih.T
    whht = gru_Whh.T
    lwiat = lstm_Wih[:, :H].T
    lwibt = lstm_Wih[:, H:].T
    lwhht = lstm_Whh.T
    w1at_f = W1[:, :H].T
    w1bt_f = W1[:, H:].T
    w2t = W2.T

    rmat = _pair_expand_mat()
    out = _tc_h0(x, w0t, b0[None, :])
    w = _tc_edge_net(edge_attr, w1at, w1bt, be1[None, :], we2t, be2[None, :])
    cnt2 = _sc_segsum(ones_e, dst2, zeros_sub, n)
    inv = _tc_invcnt(cnt2[0, :, :H], cnt2[1, :, :H])

    def mpnn_step(_, out):
        table = jnp.concatenate([out, pad_n], axis=1)
        xj = _sc_gather(table, src2)
        msg = _tc_bmm(xj, rmat, w)
        ag2 = _sc_segsum(msg, dst2, zeros_sub, n)
        return _tc_gru(ag2[0, :, :H], ag2[1, :, :H], inv, out, b_conv[None, :],
                       wiht, whht, gru_bih[None, :], gru_bhh[None, :])

    out = lax.fori_loop(0, STEPS, mpnn_step, out)

    y = _tc_s2s(out, batch_col, lwiat, lwibt, lwhht, lstm_bih[None, :],
                lstm_bhh[None, :], w1at_f, w1bt_f, b1[None, :], w2t,
                b2[None, :])
    return y

# --- scband reference (transcript-rebuilt; emitter-appended) ---
"""Pipeline reference for scband-mpnn-rbf-56581899157524 (READ-ONLY COPY).

The authoritative reference and input builder live on the scoring server;
editing this copy changes nothing except your own understanding.
"""

import jax, jax.numpy as jnp
import numpy as np

N = 10000
E = 160000
NODE_IN = 128
EDGE_IN = 16
H = 64
EH = 128
OUT_DIM = 12
CUTOFF = 5.0
GAP = 0.1
NRBF = int(CUTOFF / GAP)
NET_IN = EDGE_IN + NRBF - 1
NUM_GRAPHS = 512
STEPS = 6
S2S_STEPS = 6


def setup_inputs(seed: int = 0):
    key = jax.random.key(seed)
    ks = jax.random.split(key, 32)
    def lin(k, o, i, scale=1.0):
        return (jax.random.normal(k, (o, i), dtype=jnp.float32) / np.sqrt(i)) * scale
    inp = {}
    inp['x'] = jax.random.normal(ks[0], (N, NODE_IN), dtype=jnp.float32)
    inp['edge_attr'] = jax.random.uniform(ks[1], (E, EDGE_IN), dtype=jnp.float32)
    inp['edge_index'] = jax.random.randint(ks[2], (2, E), 0, N, dtype=jnp.int32)
    inp['batch'] = jnp.sort(jax.random.randint(ks[3], (N,), 0, NUM_GRAPHS, dtype=jnp.int32))
    inp['W0'] = lin(ks[4], H, NODE_IN)
    inp['b0'] = jnp.zeros((H,), jnp.float32)
    inp['We1'] = lin(ks[5], EH, NET_IN)
    inp['be1'] = jnp.zeros((EH,), jnp.float32)
    inp['We2'] = lin(ks[6], H * H, EH, 0.2)
    inp['be2'] = jnp.zeros((H * H,), jnp.float32)
    inp['b_conv'] = jnp.zeros((H,), jnp.float32)
    inp['gru_Wih'] = lin(ks[7], 3 * H, H)
    inp['gru_Whh'] = lin(ks[8], 3 * H, H)
    inp['gru_bih'] = jnp.zeros((3 * H,), jnp.float32)
    inp['gru_bhh'] = jnp.zeros((3 * H,), jnp.float32)
    inp['lstm_Wih'] = lin(ks[9], 4 * H, 2 * H)
    inp['lstm_Whh'] = lin(ks[10], 4 * H, H)
    inp['lstm_bih'] = jnp.zeros((4 * H,), jnp.float32)
    inp['lstm_bhh'] = jnp.zeros((4 * H,), jnp.float32)
    inp['W1'] = lin(ks[11], H, 2 * H)
    inp['b1'] = jnp.zeros((H,), jnp.float32)
    inp['W2'] = lin(ks[12], OUT_DIM, H)
    inp['b2'] = jnp.zeros((OUT_DIM,), jnp.float32)
    return inp


def reference(x, edge_attr, edge_index, batch, W0, b0, We1, be1, We2, be2, b_conv, gru_Wih, gru_Whh, gru_bih, gru_bhh, lstm_Wih, lstm_Whh, lstm_bih, lstm_bhh, W1, b1, W2, b2):
    src = edge_index[0]
    dst = edge_index[1]
    # lin0 + relu
    out = jax.nn.relu(x @ W0.T + b0)
    h = out  # GRU initial hidden state = out.unsqueeze(0)
    # RBF expansion of the distance column of edge_attr
    centers = jnp.arange(0.0, CUTOFF, GAP, dtype=jnp.float32)  # NRBF centers
    d = edge_attr[:, -1:]
    rbf = jnp.exp(-((d - centers[None, :]) ** 2) / (GAP ** 2))
    ea = jnp.concatenate([edge_attr[:, :-1], rbf], axis=1)  # [E, NET_IN]
    # edge network (identical every message-passing step, so computed once)
    w = (jax.nn.relu(ea @ We1.T + be1) @ We2.T + be2).reshape(E, H, H)
    cnt = jax.ops.segment_sum(jnp.ones((E,), jnp.float32), dst, num_segments=N)
    cnt = jnp.clip(cnt, 1.0, None)
    for _ in range(STEPS):
        # NNConv (root_weight=False, aggr='mean'): message = x_src @ W_edge, mean-scattered to dst
        xj = jnp.take(out, src, axis=0)
        msg = jnp.einsum('ei,eio->eo', xj, w)
        aggr = jax.ops.segment_sum(msg, dst, num_segments=N) / cnt[:, None]
        m = jax.nn.relu(aggr + b_conv)
        # GRU cell (seq_len=1)
        gi = m @ gru_Wih.T + gru_bih
        gh = h @ gru_Whh.T + gru_bhh
        i_r, i_z, i_n = jnp.split(gi, 3, axis=1)
        h_r, h_z, h_n = jnp.split(gh, 3, axis=1)
        r = jax.nn.sigmoid(i_r + h_r)
        z = jax.nn.sigmoid(i_z + h_z)
        n = jnp.tanh(i_n + r * h_n)
        h = (1.0 - z) * n + z * h
        out = h
    # Set2Set readout
    q_star = jnp.zeros((NUM_GRAPHS, 2 * H), jnp.float32)
    hs = jnp.zeros((NUM_GRAPHS, H), jnp.float32)
    cs = jnp.zeros((NUM_GRAPHS, H), jnp.float32)
    for _ in range(S2S_STEPS):
        gates = q_star @ lstm_Wih.T + lstm_bih + hs @ lstm_Whh.T + lstm_bhh
        ig, fg, gg, og = jnp.split(gates, 4, axis=1)
        ig = jax.nn.sigmoid(ig)
        fg = jax.nn.sigmoid(fg)
        gg = jnp.tanh(gg)
        og = jax.nn.sigmoid(og)
        cs = fg * cs + ig * gg
        hs = og * jnp.tanh(cs)
        q = hs
        e = jnp.sum(out * jnp.take(q, batch, axis=0), axis=1)
        emax = jax.ops.segment_max(e, batch, num_segments=NUM_GRAPHS)
        ee = jnp.exp(e - jnp.take(emax, batch))
        denom = jax.ops.segment_sum(ee, batch, num_segments=NUM_GRAPHS)
        a = ee / jnp.take(denom, batch)
        r_read = jax.ops.segment_sum(a[:, None] * out, batch, num_segments=NUM_GRAPHS)
        q_star = jnp.concatenate([q, r_read], axis=1)
    y = jax.nn.relu(q_star @ W1.T + b1)
    y = y @ W2.T + b2
    return y

if __name__ == "__main__":
    import jax
    _d = setup_inputs()
    print(jax.jit(kernel)(*tuple(_d.values())))

</pallas_src>

<mosaic_0001>
#map = affine_map<(d0, d1) -> (0, 0)>
#map1 = affine_map<(d0, d1) -> (0, 0, 0)>
module attributes {stable_mosaic.version = 14 : i64} {
  func.func @k(%arg0: i32, %arg1: i32, %arg2: memref<160000x128xf32, #tpu.memory_space<hbm>>, %arg3: memref<1250x128xi32, #tpu.memory_space<hbm>>, %arg4: memref<1000x128xf32, #tpu.memory_space<hbm>>, %arg5: memref<2x10000x128xf32, #tpu.memory_space<hbm>>, %arg6: memref<128xi32, #tpu.memory_space<vmem>>, %arg7: memref<128x128xf32, #tpu.memory_space<vmem>>, %arg8: memref<10000x128xf32, #tpu.memory_space<vmem_shared>>) attributes {dimension_semantics = [#tpu.dimension_semantics<core_parallel>, #tpu.dimension_semantics<subcore_parallel>], iteration_bounds = array<i64: 2, 16>, scalar_prefetch = 0 : i64, scratch_operands = 3 : i64, tpu.core_type = #tpu.core_type<sc_vector_subcore>, window_params = [{transform_indices = #map}, {transform_indices = #map}, {transform_indices = #map}, {transform_indices = #map1}]} {
    %mul3A = arith.constant 2 : i32
    %mul3A_0 = arith.muli %arg1, %mul3A : i32
    %add3A = arith.addi %mul3A_0, %arg0 : i32
    %lt3A = arith.constant 10 : i32
    %lt3A_1 = arith.cmpi slt, %arg1, %lt3A : i32
    %convert_element_type3A = arith.extui %lt3A_1 : i1 to i32
    %cond3A = arith.constant 0 : i32
    %cond3A_2 = arith.cmpi ne, %convert_element_type3A, %cond3A : i32
    scf.if %cond3A_2 {
      %mul3A_14 = arith.constant 1000 : i32
      %mul3A_15 = arith.muli %arg1, %mul3A_14 : i32
      "tpu.region"() ({
        %run_scoped3A = tpu.sem_alloc : memref<!tpu.dma_semaphore, #tpu.memory_space<semaphore_mem>>
        %dma_start3A = arith.constant 0 : i32
        %dma_start3A_16 = tpu.memref_slice %arg8[%mul3A_15, %dma_start3A] : memref<10000x128xf32, #tpu.memory_space<vmem_shared>> -> memref<1000x128xf32, #tpu.memory_space<vmem_shared>>
        tpu.enqueue_dma source(%arg4 : memref<1000x128xf32, #tpu.memory_space<hbm>>) target(%dma_start3A_16 : memref<1000x128xf32, #tpu.memory_space<vmem_shared>>) target_semaphore(%run_scoped3A : memref<!tpu.dma_semaphore, #tpu.memory_space<semaphore_mem>>)
        %dma_wait3A = arith.constant 0 : i32
        %dma_wait3A_17 = tpu.memref_slice %arg8[%mul3A_15, %dma_wait3A] : memref<10000x128xf32, #tpu.memory_space<vmem_shared>> -> memref<1000x128xf32, #tpu.memory_space<vmem_shared>>
        tpu.wait_dma2 semaphore(%run_scoped3A : memref<!tpu.dma_semaphore, #tpu.memory_space<semaphore_mem>>) src(%arg4 : memref<1000x128xf32, #tpu.memory_space<hbm>>) dst(%dma_wait3A_17 : memref<1000x128xf32, #tpu.memory_space<vmem_shared>>)
        tpu.yield
      }) : () -> ()
    } else {
    }
    %barrier3A = arith.constant 0 : index
    tpu.barrier barrier_id(%barrier3A)
    %scan3A = arith.constant 0 : i32
    %scan3A_3 = arith.constant 0 : i32
    %scan3A_4 = arith.constant 40 : i32
    %scan3A_5 = arith.addi %scan3A_3, %scan3A_4 : i32
    %scan3A_6 = arith.constant 1 : i32
    scf.for %scan3A_14 = %scan3A_3 to %scan3A_5 step %scan3A_6  : i32 {
      %mul3A_15 = arith.constant 32 : i32
      %mul3A_16 = arith.muli %mul3A_15, %scan3A_14 : i32
      %add3A_17 = arith.addi %add3A, %mul3A_16 : i32
      %lt3A_18 = arith.constant 1250 : i32
      %lt3A_19 = arith.cmpi slt, %add3A_17, %lt3A_18 : i32
      %convert_element_type3A_20 = arith.extui %lt3A_19 : i1 to i32
      %cond3A_21 = arith.constant 0 : i32
      %cond3A_22 = arith.cmpi ne, %convert_element_type3A_20, %cond3A_21 : i32
      scf.if %cond3A_22 {
        "tpu.region"() ({
          %run_scoped3A = tpu.sem_alloc : memref<!tpu.dma_semaphore, #tpu.memory_space<semaphore_mem>>
          %dma_start3A = arith.constant 0 : i32
          %dma_start3A_25 = tpu.memref_slice %arg3[%add3A_17, %dma_start3A] : memref<1250x128xi32, #tpu.memory_space<hbm>> -> memref<1x128xi32, #tpu.memory_space<hbm>>
          %dma_start3A_26 = tpu.memref_squeeze %dma_start3A_25 : memref<1x128xi32, #tpu.memory_space<hbm>> -> memref<128xi32, #tpu.memory_space<hbm>>
          %dma_start3A_27 = arith.constant 0 : i32
          %dma_start3A_28 = tpu.memref_slice %arg3[%add3A_17, %dma_start3A_27] : memref<1250x128xi32, #tpu.memory_space<hbm>> -> memref<1x128xi32, #tpu.memory_space<hbm>>
          %dma_start3A_29 = tpu.memref_squeeze %dma_start3A_28 : memref<1x128xi32, #tpu.memory_space<hbm>> -> memref<128xi32, #tpu.memory_space<hbm>>
          tpu.enqueue_dma source(%dma_start3A_29 : memref<128xi32, #tpu.memory_space<hbm>>) target(%arg6 : memref<128xi32, #tpu.memory_space<vmem>>) target_semaphore(%run_scoped3A : memref<!tpu.dma_semaphore, #tpu.memory_space<semaphore_mem>>)
          %dma_wait3A = arith.constant 0 : i32
          %dma_wait3A_30 = tpu.memref_slice %arg3[%add3A_17, %dma_wait3A] : memref<1250x128xi32, #tpu.memory_space<hbm>> -> memref<1x128xi32, #tpu.memory_space<hbm>>
          %dma_wait3A_31 = tpu.memref_squeeze %dma_wait3A_30 : memref<1x128xi32, #tpu.memory_space<hbm>> -> memref<128xi32, #tpu.memory_space<hbm>>
          %dma_wait3A_32 = arith.constant 0 : i32
          %dma_wait3A_33 = tpu.memref_slice %arg3[%add3A_17, %dma_wait3A_32] : memref<1250x128xi32, #tpu.memory_space<hbm>> -> memref<1x128xi32, #tpu.memory_space<hbm>>
          %dma_wait3A_34 = tpu.memref_squeeze %dma_wait3A_33 : memref<1x128xi32, #tpu.memory_space<hbm>> -> memref<128xi32, #tpu.memory_space<hbm>>
          tpu.wait_dma2 semaphore(%run_scoped3A : memref<!tpu.dma_semaphore, #tpu.memory_space<semaphore_mem>>) src(%dma_wait3A_34 : memref<128xi32, #tpu.memory_space<hbm>>) dst(%arg6 : memref<128xi32, #tpu.memory_space<vmem>>)
          tpu.yield
        }) : () -> ()
        %mul3A_23 = arith.constant 128 : i32
        %mul3A_24 = arith.muli %add3A_17, %mul3A_23 : i32
        "tpu.region"() ({
          %run_scoped3A = tpu.sem_alloc : memref<!tpu.dma_semaphore, #tpu.memory_space<semaphore_mem>>
          %dma_start3A = arith.constant 0 : i32
          %dma_start3A_25 = tpu.memref_slice %arg2[%mul3A_24, %dma_start3A] : memref<160000x128xf32, #tpu.memory_space<hbm>> -> memref<128x128xf32, #tpu.memory_space<hbm>>
          %dma_start3A_26 = arith.constant 0 : i32
          %dma_start3A_27 = tpu.memref_slice %arg2[%mul3A_24, %dma_start3A_26] : memref<160000x128xf32, #tpu.memory_space<hbm>> -> memref<128x128xf32, #tpu.memory_space<hbm>>
          tpu.enqueue_dma source(%dma_start3A_27 : memref<128x128xf32, #tpu.memory_space<hbm>>) target(%arg7 : memref<128x128xf32, #tpu.memory_space<vmem>>) target_semaphore(%run_scoped3A : memref<!tpu.dma_semaphore, #tpu.memory_space<semaphore_mem>>)
          %dma_wait3A = arith.constant 0 : i32
          %dma_wait3A_28 = tpu.memref_slice %arg2[%mul3A_24, %dma_wait3A] : memref<160000x128xf32, #tpu.memory_space<hbm>> -> memref<128x128xf32, #tpu.memory_space<hbm>>
          %dma_wait3A_29 = arith.constant 0 : i32
          %dma_wait3A_30 = tpu.memref_slice %arg2[%mul3A_24, %dma_wait3A_29] : memref<160000x128xf32, #tpu.memory_space<hbm>> -> memref<128x128xf32, #tpu.memory_space<hbm>>
          tpu.wait_dma2 semaphore(%run_scoped3A : memref<!tpu.dma_semaphore, #tpu.memory_space<semaphore_mem>>) src(%dma_wait3A_30 : memref<128x128xf32, #tpu.memory_space<hbm>>) dst(%arg7 : memref<128x128xf32, #tpu.memory_space<vmem>>)
          tpu.yield
        }) : () -> ()
        "tpu.region"() ({
          %run_scoped3A = tpu.sem_alloc : memref<!tpu.dma_semaphore, #tpu.memory_space<semaphore_mem>>
          %dma_start3A = arith.constant 0 : i32
          %dma_start3A_25 = arith.constant 0 : i32
          %dma_start3A_26 = tpu.memref_slice %arg8[%dma_start3A, %dma_start3A_25] : memref<10000x128xf32, #tpu.memory_space<vmem_shared>> -> memref<10000x128xf32, #tpu.memory_space<vmem_shared>>
          tpu.enqueue_indirect_dma source(%arg7 : memref<128x128xf32, #tpu.memory_space<vmem>>) target(%dma_start3A_26 : memref<10000x128xf32, #tpu.memory_space<vmem_shared>>) offsets(%arg6 : memref<128xi32, #tpu.memory_space<vmem>>) semaphore(%run_scoped3A : memref<!tpu.dma_semaphore, #tpu.memory_space<semaphore_mem>>) {add = true}
          %dma_wait3A = arith.constant 0 : i32
          %dma_wait3A_27 = arith.constant 0 : i32
          %dma_wait3A_28 = tpu.memref_slice %arg8[%dma_wait3A, %dma_wait3A_27] : memref<10000x128xf32, #tpu.memory_space<vmem_shared>> -> memref<10000x128xf32, #tpu.memory_space<vmem_shared>>
          tpu.wait_indirect_dma semaphore(%run_scoped3A : memref<!tpu.dma_semaphore, #tpu.memory_space<semaphore_mem>>) src(%arg7 : memref<128x128xf32, #tpu.memory_space<vmem>>) dst(%dma_wait3A_28 : memref<10000x128xf32, #tpu.memory_space<vmem_shared>>)
          tpu.yield
        }) : () -> ()
      } else {
      }
    }
    %scan3A_7 = arith.constant 40 : i32
    %barrier3A_8 = arith.constant 0 : index
    tpu.barrier barrier_id(%barrier3A_8)
    %lt3A_9 = arith.constant 10 : i32
    %lt3A_10 = arith.cmpi slt, %arg1, %lt3A_9 : i32
    %convert_element_type3A_11 = arith.extui %lt3A_10 : i1 to i32
    %cond3A_12 = arith.constant 0 : i32
    %cond3A_13 = arith.cmpi ne, %convert_element_type3A_11, %cond3A_12 : i32
    scf.if %cond3A_13 {
      %mul3A_14 = arith.constant 1000 : i32
      %mul3A_15 = arith.muli %arg1, %mul3A_14 : i32
      %mul3A_16 = arith.constant 1000 : i32
      %mul3A_17 = arith.muli %arg1, %mul3A_16 : i32
      "tpu.region"() ({
        %run_scoped3A = tpu.sem_alloc : memref<!tpu.dma_semaphore, #tpu.memory_space<semaphore_mem>>
        %dma_start3A = arith.constant 0 : i32
        %dma_start3A_18 = tpu.memref_slice %arg5[%arg0, %mul3A_17, %dma_start3A] : memref<2x10000x128xf32, #tpu.memory_space<hbm>> -> memref<1x1000x128xf32, #tpu.memory_space<hbm>>
        %dma_start3A_19 = tpu.memref_squeeze %dma_start3A_18 : memref<1x1000x128xf32, #tpu.memory_space<hbm>> -> memref<1000x128xf32, #tpu.memory_space<hbm>>
        %dma_start3A_20 = arith.constant 0 : i32
        %dma_start3A_21 = tpu.memref_slice %arg8[%mul3A_15, %dma_start3A_20] : memref<10000x128xf32, #tpu.memory_space<vmem_shared>> -> memref<1000x128xf32, #tpu.memory_space<vmem_shared>>
        tpu.enqueue_dma source(%dma_start3A_21 : memref<1000x128xf32, #tpu.memory_space<vmem_shared>>) target(%dma_start3A_19 : memref<1000x128xf32, #tpu.memory_space<hbm>>) target_semaphore(%run_scoped3A : memref<!tpu.dma_semaphore, #tpu.memory_space<semaphore_mem>>)
        %dma_wait3A = arith.constant 0 : i32
        %dma_wait3A_22 = tpu.memref_slice %arg5[%arg0, %mul3A_17, %dma_wait3A] : memref<2x10000x128xf32, #tpu.memory_space<hbm>> -> memref<1x1000x128xf32, #tpu.memory_space<hbm>>
        %dma_wait3A_23 = tpu.memref_squeeze %dma_wait3A_22 : memref<1x1000x128xf32, #tpu.memory_space<hbm>> -> memref<1000x128xf32, #tpu.memory_space<hbm>>
        %dma_wait3A_24 = arith.constant 0 : i32
        %dma_wait3A_25 = tpu.memref_slice %arg8[%mul3A_15, %dma_wait3A_24] : memref<10000x128xf32, #tpu.memory_space<vmem_shared>> -> memref<1000x128xf32, #tpu.memory_space<vmem_shared>>
        tpu.wait_dma2 semaphore(%run_scoped3A : memref<!tpu.dma_semaphore, #tpu.memory_space<semaphore_mem>>) src(%dma_wait3A_25 : memref<1000x128xf32, #tpu.memory_space<vmem_shared>>) dst(%dma_wait3A_23 : memref<1000x128xf32, #tpu.memory_space<hbm>>)
        tpu.yield
      }) : () -> ()
    } else {
    }
    return
  }
}

#map = affine_map<(d0, d1) -> (0, 0)>
#map1 = affine_map<(d0, d1) -> (0, 0, 0)>
module attributes {stable_mosaic.version = 14 : i64} {
  func.func @k(%arg0: i32, %arg1: i32, %arg2: memref<160000x128xf32, #tpu.memory_space<hbm>>, %arg3: memref<1250x128xi32, #tpu.memory_space<hbm>>, %arg4: memref<1000x128xf32, #tpu.memory_space<hbm>>, %arg5: memref<2x10000x128xf32, #tpu.memory_space<hbm>>, %arg6: memref<128xi32, #tpu.memory_space<vmem>>, %arg7: memref<128x128xf32, #tpu.memory_space<vmem>>, %arg8: memref<10000x128xf32, #tpu.memory_space<vmem_shared>>) attributes {dimension_semantics = [#tpu.dimension_semantics<core_parallel>, #tpu.dimension_semantics<subcore_parallel>], iteration_bounds = array<i64: 2, 16>, scalar_prefetch = 0 : i64, scratch_operands = 3 : i64, tpu.core_type = #tpu.core_type<sc_vector_subcore>, window_params = [{transform_indices = #map}, {transform_indices = #map}, {transform_indices = #map}, {transform_indices = #map1}]} {
    %mul3A = arith.constant 2 : i32
    %mul3A_0 = arith.muli %arg1, %mul3A : i32
    %add3A = arith.addi %mul3A_0, %arg0 : i32
    %lt3A = arith.constant 10 : i32
    %lt3A_1 = arith.cmpi slt, %arg1, %lt3A : i32
    %convert_element_type3A = arith.extui %lt3A_1 : i1 to i32
    %cond3A = arith.constant 0 : i32
    %cond3A_2 = arith.cmpi ne, %convert_element_type3A, %cond3A : i32
    scf.if %cond3A_2 {
      %mul3A_14 = arith.constant 1000 : i32
      %mul3A_15 = arith.muli %arg1, %mul3A_14 : i32
      "tpu.region"() ({
        %run_scoped3A = tpu.sem_alloc : memref<!tpu.dma_semaphore, #tpu.memory_space<semaphore_mem>>
        %dma_start3A = arith.constant 0 : i32
        %dma_start3A_16 = tpu.memref_slice %arg8[%mul3A_15, %dma_start3A] : memref<10000x128xf32, #tpu.memory_space<vmem_shared>> -> memref<1000x128xf32, #tpu.memory_space<vmem_shared>>
        tpu.enqueue_dma source(%arg4 : memref<1000x128xf32, #tpu.memory_space<hbm>>) target(%dma_start3A_16 : memref<1000x128xf32, #tpu.memory_space<vmem_shared>>) target_semaphore(%run_scoped3A : memref<!tpu.dma_semaphore, #tpu.memory_space<semaphore_mem>>)
        %dma_wait3A = arith.constant 0 : i32
        %dma_wait3A_17 = tpu.memref_slice %arg8[%mul3A_15, %dma_wait3A] : memref<10000x128xf32, #tpu.memory_space<vmem_shared>> -> memref<1000x128xf32, #tpu.memory_space<vmem_shared>>
        tpu.wait_dma2 semaphore(%run_scoped3A : memref<!tpu.dma_semaphore, #tpu.memory_space<semaphore_mem>>) src(%arg4 : memref<1000x128xf32, #tpu.memory_space<hbm>>) dst(%dma_wait3A_17 : memref<1000x128xf32, #tpu.memory_space<vmem_shared>>)
        tpu.yield
      }) : () -> ()
    } else {
    }
    %barrier3A = arith.constant 0 : index
    tpu.barrier barrier_id(%barrier3A)
    %scan3A = arith.constant 0 : i32
    %scan3A_3 = arith.constant 0 : i32
    %scan3A_4 = arith.constant 40 : i32
    %scan3A_5 = arith.addi %scan3A_3, %scan3A_4 : i32
    %scan3A_6 = arith.constant 1 : i32
    scf.for %scan3A_14 = %scan3A_3 to %scan3A_5 step %scan3A_6  : i32 {
      %mul3A_15 = arith.constant 32 : i32
      %mul3A_16 = arith.muli %mul3A_15, %scan3A_14 : i32
      %add3A_17 = arith.addi %add3A, %mul3A_16 : i32
      %lt3A_18 = arith.constant 1250 : i32
      %lt3A_19 = arith.cmpi slt, %add3A_17, %lt3A_18 : i32
      %convert_element_type3A_20 = arith.extui %lt3A_19 : i1 to i32
      %cond3A_21 = arith.constant 0 : i32
      %cond3A_22 = arith.cmpi ne, %convert_element_type3A_20, %cond3A_21 : i32
      scf.if %cond3A_22 {
        "tpu.region"() ({
          %run_scoped3A = tpu.sem_alloc : memref<!tpu.dma_semaphore, #tpu.memory_space<semaphore_mem>>
          %dma_start3A = arith.constant 0 : i32
          %dma_start3A_25 = tpu.memref_slice %arg3[%add3A_17, %dma_start3A] : memref<1250x128xi32, #tpu.memory_space<hbm>> -> memref<1x128xi32, #tpu.memory_space<hbm>>
          %dma_start3A_26 = tpu.memref_squeeze %dma_start3A_25 : memref<1x128xi32, #tpu.memory_space<hbm>> -> memref<128xi32, #tpu.memory_space<hbm>>
          %dma_start3A_27 = arith.constant 0 : i32
          %dma_start3A_28 = tpu.memref_slice %arg3[%add3A_17, %dma_start3A_27] : memref<1250x128xi32, #tpu.memory_space<hbm>> -> memref<1x128xi32, #tpu.memory_space<hbm>>
          %dma_start3A_29 = tpu.memref_squeeze %dma_start3A_28 : memref<1x128xi32, #tpu.memory_space<hbm>> -> memref<128xi32, #tpu.memory_space<hbm>>
          tpu.enqueue_dma source(%dma_start3A_29 : memref<128xi32, #tpu.memory_space<hbm>>) target(%arg6 : memref<128xi32, #tpu.memory_space<vmem>>) target_semaphore(%run_scoped3A : memref<!tpu.dma_semaphore, #tpu.memory_space<semaphore_mem>>)
          %dma_wait3A = arith.constant 0 : i32
          %dma_wait3A_30 = tpu.memref_slice %arg3[%add3A_17, %dma_wait3A] : memref<1250x128xi32, #tpu.memory_space<hbm>> -> memref<1x128xi32, #tpu.memory_space<hbm>>
          %dma_wait3A_31 = tpu.memref_squeeze %dma_wait3A_30 : memref<1x128xi32, #tpu.memory_space<hbm>> -> memref<128xi32, #tpu.memory_space<hbm>>
          %dma_wait3A_32 = arith.constant 0 : i32
          %dma_wait3A_33 = tpu.memref_slice %arg3[%add3A_17, %dma_wait3A_32] : memref<1250x128xi32, #tpu.memory_space<hbm>> -> memref<1x128xi32, #tpu.memory_space<hbm>>
          %dma_wait3A_34 = tpu.memref_squeeze %dma_wait3A_33 : memref<1x128xi32, #tpu.memory_space<hbm>> -> memref<128xi32, #tpu.memory_space<hbm>>
          tpu.wait_dma2 semaphore(%run_scoped3A : memref<!tpu.dma_semaphore, #tpu.memory_space<semaphore_mem>>) src(%dma_wait3A_34 : memref<128xi32, #tpu.memory_space<hbm>>) dst(%arg6 : memref<128xi32, #tpu.memory_space<vmem>>)
          tpu.yield
        }) : () -> ()
        %mul3A_23 = arith.constant 128 : i32
        %mul3A_24 = arith.muli %add3A_17, %mul3A_23 : i32
        "tpu.region"() ({
          %run_scoped3A = tpu.sem_alloc : memref<!tpu.dma_semaphore, #tpu.memory_space<semaphore_mem>>
          %dma_start3A = arith.constant 0 : i32
          %dma_start3A_25 = tpu.memref_slice %arg2[%mul3A_24, %dma_start3A] : memref<160000x128xf32, #tpu.memory_space<hbm>> -> memref<128x128xf32, #tpu.memory_space<hbm>>
          %dma_start3A_26 = arith.constant 0 : i32
          %dma_start3A_27 = tpu.memref_slice %arg2[%mul3A_24, %dma_start3A_26] : memref<160000x128xf32, #tpu.memory_space<hbm>> -> memref<128x128xf32, #tpu.memory_space<hbm>>
          tpu.enqueue_dma source(%dma_start3A_27 : memref<128x128xf32, #tpu.memory_space<hbm>>) target(%arg7 : memref<128x128xf32, #tpu.memory_space<vmem>>) target_semaphore(%run_scoped3A : memref<!tpu.dma_semaphore, #tpu.memory_space<semaphore_mem>>)
          %dma_wait3A = arith.constant 0 : i32
          %dma_wait3A_28 = tpu.memref_slice %arg2[%mul3A_24, %dma_wait3A] : memref<160000x128xf32, #tpu.memory_space<hbm>> -> memref<128x128xf32, #tpu.memory_space<hbm>>
          %dma_wait3A_29 = arith.constant 0 : i32
          %dma_wait3A_30 = tpu.memref_slice %arg2[%mul3A_24, %dma_wait3A_29] : memref<160000x128xf32, #tpu.memory_space<hbm>> -> memref<128x128xf32, #tpu.memory_space<hbm>>
          tpu.wait_dma2 semaphore(%run_scoped3A : memref<!tpu.dma_semaphore, #tpu.memory_space<semaphore_mem>>) src(%dma_wait3A_30 : memref<128x128xf32, #tpu.memory_space<hbm>>) dst(%arg7 : memref<128x128xf32, #tpu.memory_space<vmem>>)
          tpu.yield
        }) : () -> ()
        "tpu.region"() ({
          %run_scoped3A = tpu.sem_alloc : memref<!tpu.dma_semaphore, #tpu.memory_space<semaphore_mem>>
          %dma_start3A = arith.constant 0 : i32
          %dma_start3A_25 = arith.constant 0 : i32
          %dma_start3A_26 = tpu.memref_slice %arg8[%dma_start3A, %dma_start3A_25] : memref<10000x128xf32, #tpu.memory_space<vmem_shared>> -> memref<10000x128xf32, #tpu.memory_space<vmem_shared>>
          tpu.enqueue_indirect_dma source(%arg7 : memref<128x128xf32, #tpu.memory_space<vmem>>) target(%dma_start3A_26 : memref<10000x128xf32, #tpu.memory_space<vmem_shared>>) offsets(%arg6 : memref<128xi32, #tpu.memory_space<vmem>>) semaphore(%run_scoped3A : memref<!tpu.dma_semaphore, #tpu.memory_space<semaphore_mem>>) {add = true}
          %dma_wait3A = arith.constant 0 : i32
          %dma_wait3A_27 = arith.constant 0 : i32
          %dma_wait3A_28 = tpu.memref_slice %arg8[%dma_wait3A, %dma_wait3A_27] : memref<10000x128xf32, #tpu.memory_space<vmem_shared>> -> memref<10000x128xf32, #tpu.memory_space<vmem_shared>>
          tpu.wait_indirect_dma semaphore(%run_scoped3A : memref<!tpu.dma_semaphore, #tpu.memory_space<semaphore_mem>>) src(%arg7 : memref<128x128xf32, #tpu.memory_space<vmem>>) dst(%dma_wait3A_28 : memref<10000x128xf32, #tpu.memory_space<vmem_shared>>)
          tpu.yield
        }) : () -> ()
      } else {
      }
    }
    %scan3A_7 = arith.constant 40 : i32
    %barrier3A_8 = arith.constant 0 : index
    tpu.barrier barrier_id(%barrier3A_8)
    %lt3A_9 = arith.constant 10 : i32
    %lt3A_10 = arith.cmpi slt, %arg1, %lt3A_9 : i32
    %convert_element_type3A_11 = arith.extui %lt3A_10 : i1 to i32
    %cond3A_12 = arith.constant 0 : i32
    %cond3A_13 = arith.cmpi ne, %convert_element_type3A_11, %cond3A_12 : i32
    scf.if %cond3A_13 {
      %mul3A_14 = arith.constant 1000 : i32
      %mul3A_15 = arith.muli %arg1, %mul3A_14 : i32
      %mul3A_16 = arith.constant 1000 : i32
      %mul3A_17 = arith.muli %arg1, %mul3A_16 : i32
      "tpu.region"() ({
        %run_scoped3A = tpu.sem_alloc : memref<!tpu.dma_semaphore, #tpu.memory_space<semaphore_mem>>
        %dma_start3A = arith.constant 0 : i32
        %dma_start3A_18 = tpu.memref_slice %arg5[%arg0, %mul3A_17, %dma_start3A] : memref<2x10000x128xf32, #tpu.memory_space<hbm>> -> memref<1x1000x128xf32, #tpu.memory_space<hbm>>
        %dma_start3A_19 = tpu.memref_squeeze %dma_start3A_18 : memref<1x1000x128xf32, #tpu.memory_space<hbm>> -> memref<1000x128xf32, #tpu.memory_space<hbm>>
        %dma_start3A_20 = arith.constant 0 : i32
        %dma_start3A_21 = tpu.memref_slice %arg8[%mul3A_15, %dma_start3A_20] : memref<10000x128xf32, #tpu.memory_space<vmem_shared>> -> memref<1000x128xf32, #tpu.memory_space<vmem_shared>>
        tpu.enqueue_dma source(%dma_start3A_21 : memref<1000x128xf32, #tpu.memory_space<vmem_shared>>) target(%dma_start3A_19 : memref<1000x128xf32, #tpu.memory_space<hbm>>) target_semaphore(%run_scoped3A : memref<!tpu.dma_semaphore, #tpu.memory_space<semaphore_mem>>)
        %dma_wait3A = arith.constant 0 : i32
        %dma_wait3A_22 = tpu.memref_slice %arg5[%arg0, %mul3A_17, %dma_wait3A] : memref<2x10000x128xf32, #tpu.memory_space<hbm>> -> memref<1x1000x128xf32, #tpu.memory_space<hbm>>
        %dma_wait3A_23 = tpu.memref_squeeze %dma_wait3A_22 : memref<1x1000x128xf32, #tpu.memory_space<hbm>> -> memref<1000x128xf32, #tpu.memory_space<hbm>>
        %dma_wait3A_24 = arith.constant 0 : i32
        %dma_wait3A_25 = tpu.memref_slice %arg8[%mul3A_15, %dma_wait3A_24] : memref<10000x128xf32, #tpu.memory_space<vmem_shared>> -> memref<1000x128xf32, #tpu.memory_space<vmem_shared>>
        tpu.wait_dma2 semaphore(%run_scoped3A : memref<!tpu.dma_semaphore, #tpu.memory_space<semaphore_mem>>) src(%dma_wait3A_25 : memref<1000x128xf32, #tpu.memory_space<vmem_shared>>) dst(%dma_wait3A_23 : memref<1000x128xf32, #tpu.memory_space<hbm>>)
        tpu.yield
      }) : () -> ()
    } else {
    }
    return
  }
}

#map = affine_map<(d0, d1) -> (0, 0)>
module attributes {stable_mosaic.version = 14 : i64} {
  func.func @k(%arg0: i32, %arg1: i32, %arg2: memref<10000x128xf32, #tpu.memory_space<hbm>>, %arg3: memref<1250x128xi32, #tpu.memory_space<hbm>>, %arg4: memref<160000x128xf32, #tpu.memory_space<hbm>>, %arg5: memref<128xi32, #tpu.memory_space<vmem>>, %arg6: memref<128x128xf32, #tpu.memory_space<vmem>>, %arg7: memref<!tpu.dma_semaphore, #tpu.memory_space<semaphore_mem>>) attributes {dimension_semantics = [#tpu.dimension_semantics<core_parallel>, #tpu.dimension_semantics<subcore_parallel>], iteration_bounds = array<i64: 2, 16>, scalar_prefetch = 0 : i64, scratch_operands = 3 : i64, tpu.core_type = #tpu.core_type<sc_vector_subcore>, window_params = [{transform_indices = #map}, {transform_indices = #map}, {transform_indices = #map}]} {
    %mul3A = arith.constant 2 : i32
    %mul3A_0 = arith.muli %arg1, %mul3A : i32
    %add3A = arith.addi %mul3A_0, %arg0 : i32
    %scan3A = arith.constant 0 : i32
    %scan3A_1 = arith.constant 0 : i32
    %scan3A_2 = arith.constant 40 : i32
    %scan3A_3 = arith.addi %scan3A_1, %scan3A_2 : i32
    %scan3A_4 = arith.constant 1 : i32
    scf.for %scan3A_6 = %scan3A_1 to %scan3A_3 step %scan3A_4  : i32 {
      %mul3A_7 = arith.constant 32 : i32
      %mul3A_8 = arith.muli %mul3A_7, %scan3A_6 : i32
      %add3A_9 = arith.addi %add3A, %mul3A_8 : i32
      %lt3A = arith.constant 1250 : i32
      %lt3A_10 = arith.cmpi slt, %add3A_9, %lt3A : i32
      %convert_element_type3A = arith.extui %lt3A_10 : i1 to i32
      %cond3A = arith.constant 0 : i32
      %cond3A_11 = arith.cmpi ne, %convert_element_type3A, %cond3A : i32
      scf.if %cond3A_11 {
        "tpu.region"() ({
          %run_scoped3A = tpu.sem_alloc : memref<!tpu.dma_semaphore, #tpu.memory_space<semaphore_mem>>
          %dma_start3A_18 = arith.constant 0 : i32
          %dma_start3A_19 = tpu.memref_slice %arg3[%add3A_9, %dma_start3A_18] : memref<1250x128xi32, #tpu.memory_space<hbm>> -> memref<1x128xi32, #tpu.memory_space<hbm>>
          %dma_start3A_20 = tpu.memref_squeeze %dma_start3A_19 : memref<1x128xi32, #tpu.memory_space<hbm>> -> memref<128xi32, #tpu.memory_space<hbm>>
          %dma_start3A_21 = arith.constant 0 : i32
          %dma_start3A_22 = tpu.memref_slice %arg3[%add3A_9, %dma_start3A_21] : memref<1250x128xi32, #tpu.memory_space<hbm>> -> memref<1x128xi32, #tpu.memory_space<hbm>>
          %dma_start3A_23 = tpu.memref_squeeze %dma_start3A_22 : memref<1x128xi32, #tpu.memory_space<hbm>> -> memref<128xi32, #tpu.memory_space<hbm>>
          tpu.enqueue_dma source(%dma_start3A_23 : memref<128xi32, #tpu.memory_space<hbm>>) target(%arg5 : memref<128xi32, #tpu.memory_space<vmem>>) target_semaphore(%run_scoped3A : memref<!tpu.dma_semaphore, #tpu.memory_space<semaphore_mem>>)
          %dma_wait3A_24 = arith.constant 0 : i32
          %dma_wait3A_25 = tpu.memref_slice %arg3[%add3A_9, %dma_wait3A_24] : memref<1250x128xi32, #tpu.memory_space<hbm>> -> memref<1x128xi32, #tpu.memory_space<hbm>>
          %dma_wait3A_26 = tpu.memref_squeeze %dma_wait3A_25 : memref<1x128xi32, #tpu.memory_space<hbm>> -> memref<128xi32, #tpu.memory_space<hbm>>
          %dma_wait3A_27 = arith.constant 0 : i32
          %dma_wait3A_28 = tpu.memref_slice %arg3[%add3A_9, %dma_wait3A_27] : memref<1250x128xi32, #tpu.memory_space<hbm>> -> memref<1x128xi32, #tpu.memory_space<hbm>>
          %dma_wait3A_29 = tpu.memref_squeeze %dma_wait3A_28 : memref<1x128xi32, #tpu.memory_space<hbm>> -> memref<128xi32, #tpu.memory_space<hbm>>
          tpu.wait_dma2 semaphore(%run_scoped3A : memref<!tpu.dma_semaphore, #tpu.memory_space<semaphore_mem>>) src(%dma_wait3A_29 : memref<128xi32, #tpu.memory_space<hbm>>) dst(%arg5 : memref<128xi32, #tpu.memory_space<vmem>>)
          tpu.yield
        }) : () -> ()
        %dma_start3A = arith.constant 0 : i32
        %dma_start3A_12 = arith.constant 0 : i32
        %dma_start3A_13 = tpu.memref_slice %arg2[%dma_start3A, %dma_start3A_12] : memref<10000x128xf32, #tpu.memory_space<hbm>> -> memref<10000x128xf32, #tpu.memory_space<hbm>>
        tpu.enqueue_indirect_dma source(%dma_start3A_13 : memref<10000x128xf32, #tpu.memory_space<hbm>>) target(%arg6 : memref<128x128xf32, #tpu.memory_space<vmem>>) offsets(%arg5 : memref<128xi32, #tpu.memory_space<vmem>>) semaphore(%arg7 : memref<!tpu.dma_semaphore, #tpu.memory_space<semaphore_mem>>)
        %dma_wait3A = arith.constant 0 : i32
        %dma_wait3A_14 = arith.constant 0 : i32
        %dma_wait3A_15 = tpu.memref_slice %arg2[%dma_wait3A, %dma_wait3A_14] : memref<10000x128xf32, #tpu.memory_space<hbm>> -> memref<10000x128xf32, #tpu.memory_space<hbm>>
        tpu.wait_indirect_dma semaphore(%arg7 : memref<!tpu.dma_semaphore, #tpu.memory_space<semaphore_mem>>) src(%dma_wait3A_15 : memref<10000x128xf32, #tpu.memory_space<hbm>>) dst(%arg6 : memref<128x128xf32, #tpu.memory_space<vmem>>)
        %mul3A_16 = arith.constant 128 : i32
        %mul3A_17 = arith.muli %add3A_9, %mul3A_16 : i32
        "tpu.region"() ({
          %run_scoped3A = tpu.sem_alloc : memref<!tpu.dma_semaphore, #tpu.memory_space<semaphore_mem>>
          %dma_start3A_18 = arith.constant 0 : i32
          %dma_start3A_19 = tpu.memref_slice %arg4[%mul3A_17, %dma_start3A_18] : memref<160000x128xf32, #tpu.memory_space<hbm>> -> memref<128x128xf32, #tpu.memory_space<hbm>>
          %dma_start3A_20 = arith.constant 0 : i32
          %dma_start3A_21 = tpu.memref_slice %arg4[%mul3A_17, %dma_start3A_20] : memref<160000x128xf32, #tpu.memory_space<hbm>> -> memref<128x128xf32, #tpu.memory_space<hbm>>
          tpu.enqueue_dma source(%arg6 : memref<128x128xf32, #tpu.memory_space<vmem>>) target(%dma_start3A_21 : memref<128x128xf32, #tpu.memory_space<hbm>>) target_semaphore(%run_scoped3A : memref<!tpu.dma_semaphore, #tpu.memory_space<semaphore_mem>>)
          %dma_wait3A_22 = arith.constant 0 : i32
          %dma_wait3A_23 = tpu.memref_slice %arg4[%mul3A_17, %dma_wait3A_22] : memref<160000x128xf32, #tpu.memory_space<hbm>> -> memref<128x128xf32, #tpu.memory_space<hbm>>
          %dma_wait3A_24 = arith.constant 0 : i32
          %dma_wait3A_25 = tpu.memref_slice %arg4[%mul3A_17, %dma_wait3A_24] : memref<160000x128xf32, #tpu.memory_space<hbm>> -> memref<128x128xf32, #tpu.memory_space<hbm>>
          tpu.wait_dma2 semaphore(%run_scoped3A : memref<!tpu.dma_semaphore, #tpu.memory_space<semaphore_mem>>) src(%arg6 : memref<128x128xf32, #tpu.memory_space<vmem>>) dst(%dma_wait3A_25 : memref<128x128xf32, #tpu.memory_space<hbm>>)
          tpu.yield
        }) : () -> ()
      } else {
      }
    }
    %scan3A_5 = arith.constant 40 : i32
    return
  }
}

module attributes {stable_mosaic.version = 14 : i64} {
  func.func @_h0_body(%arg0: i32, %arg1: memref<400x128xf32, #tpu.memory_space<vmem>>, %arg2: memref<128x64xf32, #tpu.memory_space<vmem>>, %arg3: memref<1x64xf32, #tpu.memory_space<vmem>>, %arg4: memref<400x64xf32, #tpu.memory_space<vmem>>) attributes {dimension_semantics = [#tpu.dimension_semantics<arbitrary>], iteration_bounds = array<i64: 25>, scalar_prefetch = 0 : i64, scratch_operands = 0 : i64, tpu.core_type = #tpu.core_type<tc>, window_params = [{transform_indices = @transform_0, window_bounds = array<i64: 400, 128>}, {pipeline_mode = #tpu.pipeline_mode<synchronous>, transform_indices = @transform_1, window_bounds = array<i64: 128, 64>}, {pipeline_mode = #tpu.pipeline_mode<synchronous>, transform_indices = @transform_2, window_bounds = array<i64: 1, 64>}, {transform_indices = @transform_3, window_bounds = array<i64: 400, 64>}]} {
    %get3A = arith.constant 0 : index
    %get3A_0 = arith.constant 0 : index
    %get3A_1 = vector.load %arg1[%get3A, %get3A_0] : memref<400x128xf32, #tpu.memory_space<vmem>>, vector<400x128xf32>
    %get3A_2 = arith.constant 0 : index
    %get3A_3 = arith.constant 0 : index
    %get3A_4 = vector.load %arg2[%get3A_2, %get3A_3] : memref<128x64xf32, #tpu.memory_space<vmem>>, vector<128x64xf32>
    %dot_general3A = arith.constant dense<0.000000e+00> : vector<400x64xf32>
    %dot_general3A_5 = tpu.matmul %get3A_1, %get3A_4, %dot_general3A {dimension_numbers = #tpu.dot_dimension_numbers<[1], [0], [0], [1], [0, 0, 1, 1], [], []>, transpose_lhs_hint = false} : vector<400x128xf32>, vector<128x64xf32>, vector<400x64xf32> -> vector<400x64xf32>
    %get3A_6 = arith.constant 0 : index
    %get3A_7 = arith.constant 0 : index
    %get3A_8 = vector.load %arg3[%get3A_6, %get3A_7] : memref<1x64xf32, #tpu.memory_space<vmem>>, vector<1x64xf32>
    %add3A = vector.broadcast %get3A_8 : vector<1x64xf32> to vector<400x64xf32>
    %add3A_9 = arith.addf %dot_general3A_5, %add3A : vector<400x64xf32>
    %max3A = arith.constant 0.000000e+00 : f32
    %max3A_10 = vector.broadcast %max3A : f32 to vector<400x64xf32>
    %max3A_11 = arith.maximumf %add3A_9, %max3A_10 : vector<400x64xf32>
    %swap3A = arith.constant 0 : index
    %swap3A_12 = arith.constant 0 : index
    %swap3A_13 = vector.load %arg4[%swap3A, %swap3A_12] : memref<400x64xf32, #tpu.memory_space<vmem>>, vector<400x64xf32>
    tpu.vector_store %arg4[%swap3A, %swap3A_12], %max3A_11 {strides = array<i32>} : memref<400x64xf32, #tpu.memory_space<vmem>>, vector<400x64xf32>,
    return
  }
  func.func @transform_0(%arg0: i32) -> (i32, i32) {
    %c0_i32 = arith.constant 0 : i32
    %c0_i32_0 = arith.constant 0 : i32
    return %arg0, %c0_i32 : i32, i32
  }
  func.func @transform_1(%arg0: i32) -> (i32, i32) {
    %c0_i32 = arith.constant 0 : i32
    %c0_i32_0 = arith.constant 0 : i32
    %c0_i32_1 = arith.constant 0 : i32
    return %c0_i32, %c0_i32_0 : i32, i32
  }
  func.func @transform_2(%arg0: i32) -> (i32, i32) {
    %c0_i32 = arith.constant 0 : i32
    %c0_i32_0 = arith.constant 0 : i32
    %c0_i32_1 = arith.constant 0 : i32
    return %c0_i32, %c0_i32_0 : i32, i32
  }
  func.func @transform_3(%arg0: i32) -> (i32, i32) {
    %c0_i32 = arith.constant 0 : i32
    %c0_i32_0 = arith.constant 0 : i32
    return %arg0, %c0_i32 : i32, i32
  }
}

module attributes {stable_mosaic.version = 14 : i64} {
  func.func @_edge_net_body(%arg0: i32, %arg1: memref<320x16xf32, #tpu.memory_space<vmem>>, %arg2: memref<15x128xf32, #tpu.memory_space<vmem>>, %arg3: memref<50x128xf32, #tpu.memory_space<vmem>>, %arg4: memref<1x128xf32, #tpu.memory_space<vmem>>, %arg5: memref<128x4096xf32, #tpu.memory_space<vmem>>, %arg6: memref<1x4096xf32, #tpu.memory_space<vmem>>, %arg7: memref<320x4096xf32, #tpu.memory_space<vmem>>) attributes {dimension_semantics = [#tpu.dimension_semantics<arbitrary>], iteration_bounds = array<i64: 500>, scalar_prefetch = 0 : i64, scratch_operands = 0 : i64, tpu.core_type = #tpu.core_type<tc>, window_params = [{transform_indices = @transform_0, window_bounds = array<i64: 320, 16>}, {pipeline_mode = #tpu.pipeline_mode<synchronous>, transform_indices = @transform_1, window_bounds = array<i64: 15, 128>}, {pipeline_mode = #tpu.pipeline_mode<synchronous>, transform_indices = @transform_2, window_bounds = array<i64: 50, 128>}, {pipeline_mode = #tpu.pipeline_mode<synchronous>, transform_indices = @transform_3, window_bounds = array<i64: 1, 128>}, {pipeline_mode = #tpu.pipeline_mode<synchronous>, transform_indices = @transform_4, window_bounds = array<i64: 128, 4096>}, {pipeline_mode = #tpu.pipeline_mode<synchronous>, transform_indices = @transform_5, window_bounds = array<i64: 1, 4096>}, {transform_indices = @transform_6, window_bounds = array<i64: 320, 4096>}]} {
    %get3A = arith.constant 0 : index
    %get3A_0 = arith.constant 0 : index
    %get3A_1 = vector.load %arg1[%get3A, %get3A_0] : memref<320x16xf32, #tpu.memory_space<vmem>>, vector<320x16xf32>
    %slice3A = vector.extract_strided_slice %get3A_1 {offsets = [0, 15], sizes = [320, 1], strides = [1, 1]} : vector<320x16xf32> to vector<320x1xf32>
    %iota3A = tpu.iota {dimensions = array<i32: 1>} : vector<1x50xi32>
    %convert_element_type3A = arith.sitofp %iota3A : vector<1x50xi32> to vector<1x50xf32>
    %mul3A = arith.constant 1.000000e-01 : f32
    %mul3A_2 = vector.broadcast %mul3A : f32 to vector<1x50xf32>
    %mul3A_3 = arith.mulf %convert_element_type3A, %mul3A_2 : vector<1x50xf32>
    %sub3A = vector.broadcast %slice3A : vector<320x1xf32> to vector<320x50xf32>
    %sub3A_4 = vector.broadcast %mul3A_3 : vector<1x50xf32> to vector<320x50xf32>
    %sub3A_5 = arith.subf %sub3A, %sub3A_4 : vector<320x50xf32>
    %integer_pow3A = arith.mulf %sub3A_5, %sub3A_5 : vector<320x50xf32>
    %neg3A = arith.constant 0.000000e+00 : f32
    %neg3A_6 = vector.broadcast %neg3A : f32 to vector<320x50xf32>
    %neg3A_7 = arith.subf %neg3A_6, %integer_pow3A : vector<320x50xf32>
    %div3A = arith.constant 0.00999999977 : f32
    %div3A_8 = vector.broadcast %div3A : f32 to vector<320x50xf32>
    %div3A_9 = arith.divf %neg3A_7, %div3A_8 : vector<320x50xf32>
    %exp3A = math.exp %div3A_9 : vector<320x50xf32>
    %slice3A_10 = vector.extract_strided_slice %get3A_1 {offsets = [0, 0], sizes = [320, 15], strides = [1, 1]} : vector<320x16xf32> to vector<320x15xf32>
    %get3A_11 = arith.constant 0 : index
    %get3A_12 = arith.constant 0 : index
    %get3A_13 = vector.load %arg2[%get3A_11, %get3A_12] : memref<15x128xf32, #tpu.memory_space<vmem>>, vector<15x128xf32>
    %dot_general3A = arith.constant dense<0.000000e+00> : vector<320x128xf32>
    %dot_general3A_14 = tpu.matmul %slice3A_10, %get3A_13, %dot_general3A {dimension_numbers = #tpu.dot_dimension_numbers<[1], [0], [0], [1], [0, 0, 1, 1], [], []>, transpose_lhs_hint = false} : vector<320x15xf32>, vector<15x128xf32>, vector<320x128xf32> -> vector<320x128xf32>
    %get3A_15 = arith.constant 0 : index
    %get3A_16 = arith.constant 0 : index
    %get3A_17 = vector.load %arg3[%get3A_15, %get3A_16] : memref<50x128xf32, #tpu.memory_space<vmem>>, vector<50x128xf32>
    %dot_general3A_18 = arith.constant dense<0.000000e+00> : vector<320x128xf32>
    %dot_general3A_19 = tpu.matmul %exp3A, %get3A_17, %dot_general3A_18 {dimension_numbers = #tpu.dot_dimension_numbers<[1], [0], [0], [1], [0, 0, 1, 1], [], []>, transpose_lhs_hint = false} : vector<320x50xf32>, vector<50x128xf32>, vector<320x128xf32> -> vector<320x128xf32>
    %add3A = arith.addf %dot_general3A_14, %dot_general3A_19 : vector<320x128xf32>
    %get3A_20 = arith.constant 0 : index
    %get3A_21 = arith.constant 0 : index
    %get3A_22 = vector.load %arg4[%get3A_20, %get3A_21] : memref<1x128xf32, #tpu.memory_space<vmem>>, vector<1x128xf32>
    %add3A_23 = vector.broadcast %get3A_22 : vector<1x128xf32> to vector<320x128xf32>
    %add3A_24 = arith.addf %add3A, %add3A_23 : vector<320x128xf32>
    %max3A = arith.constant 0.000000e+00 : f32
    %max3A_25 = vector.broadcast %max3A : f32 to vector<320x128xf32>
    %max3A_26 = arith.maximumf %add3A_24, %max3A_25 : vector<320x128xf32>
    %get3A_27 = arith.constant 0 : index
    %get3A_28 = arith.constant 0 : index
    %get3A_29 = vector.load %arg5[%get3A_27, %get3A_28] : memref<128x4096xf32, #tpu.memory_space<vmem>>, vector<128x4096xf32>
    %dot_general3A_30 = arith.constant dense<0.000000e+00> : vector<320x4096xf32>
    %dot_general3A_31 = tpu.matmul %max3A_26, %get3A_29, %dot_general3A_30 {dimension_numbers = #tpu.dot_dimension_numbers<[1], [0], [0], [1], [0, 0, 1, 1], [], []>, transpose_lhs_hint = false} : vector<320x128xf32>, vector<128x4096xf32>, vector<320x4096xf32> -> vector<320x4096xf32>
    %get3A_32 = arith.constant 0 : index
    %get3A_33 = arith.constant 0 : index
    %get3A_34 = vector.load %arg6[%get3A_32, %get3A_33] : memref<1x4096xf32, #tpu.memory_space<vmem>>, vector<1x4096xf32>
    %add3A_35 = vector.broadcast %get3A_34 : vector<1x4096xf32> to vector<320x4096xf32>
    %add3A_36 = arith.addf %dot_general3A_31, %add3A_35 : vector<320x4096xf32>
    %swap3A = arith.constant 0 : index
    %swap3A_37 = arith.constant 0 : index
    %swap3A_38 = vector.load %arg7[%swap3A, %swap3A_37] : memref<320x4096xf32, #tpu.memory_space<vmem>>, vector<320x4096xf32>
    tpu.vector_store %arg7[%swap3A, %swap3A_37], %add3A_36 {strides = array<i32>} : memref<320x4096xf32, #tpu.memory_space<vmem>>, vector<320x4096xf32>,
    return
  }
  func.func @transform_0(%arg0: i32) -> (i32, i32) {
    %c0_i32 = arith.constant 0 : i32
    %c0_i32_0 = arith.constant 0 : i32
    return %arg0, %c0_i32 : i32, i32
  }
  func.func @transform_1(%arg0: i32) -> (i32, i32) {
    %c0_i32 = arith.constant 0 : i32
    %c0_i32_0 = arith.constant 0 : i32
    %c0_i32_1 = arith.constant 0 : i32
    return %c0_i32, %c0_i32_0 : i32, i32
  }
  func.func @transform_2(%arg0: i32) -> (i32, i32) {
    %c0_i32 = arith.constant 0 : i32
    %c0_i32_0 = arith.constant 0 : i32
    %c0_i32_1 = arith.constant 0 : i32
    return %c0_i32, %c0_i32_0 : i32, i32
  }
  func.func @transform_3(%arg0: i32) -> (i32, i32) {
    %c0_i32 = arith.constant 0 : i32
    %c0_i32_0 = arith.constant 0 : i32
    %c0_i32_1 = arith.constant 0 : i32
    return %c0_i32, %c0_i32_0 : i32, i32
  }
  func.func @transform_4(%arg0: i32) -> (i32, i32) {
    %c0_i32 = arith.constant 0 : i32
    %c0_i32_0 = arith.constant 0 : i32
    %c0_i32_1 = arith.constant 0 : i32
    return %c0_i32, %c0_i32_0 : i32, i32
  }
  func.func @transform_5(%arg0: i32) -> (i32, i32) {
    %c0_i32 = arith.constant 0 : i32
    %c0_i32_0 = arith.constant 0 : i32
    %c0_i32_1 = arith.constant 0 : i32
    return %c0_i32, %c0_i32_0 : i32, i32
  }
  func.func @transform_6(%arg0: i32) -> (i32, i32) {
    %c0_i32 = arith.constant 0 : i32
    %c0_i32_0 = arith.constant 0 : i32
    return %arg0, %c0_i32 : i32, i32
  }
}

module attributes {stable_mosaic.version = 14 : i64} {
  func.func @_invcnt_body(%arg0: i32, %arg1: memref<400x64xf32, #tpu.memory_space<vmem>>, %arg2: memref<400x64xf32, #tpu.memory_space<vmem>>, %arg3: memref<400x64xf32, #tpu.memory_space<vmem>>) attributes {dimension_semantics = [#tpu.dimension_semantics<arbitrary>], iteration_bounds = array<i64: 25>, scalar_prefetch = 0 : i64, scratch_operands = 0 : i64, tpu.core_type = #tpu.core_type<tc>, window_params = [{transform_indices = @transform_0, window_bounds = array<i64: 400, 64>}, {transform_indices = @transform_1, window_bounds = array<i64: 400, 64>}, {transform_indices = @transform_2, window_bounds = array<i64: 400, 64>}]} {
    %get3A = arith.constant 0 : index
    %get3A_0 = arith.constant 0 : index
    %get3A_1 = vector.load %arg1[%get3A, %get3A_0] : memref<400x64xf32, #tpu.memory_space<vmem>>, vector<400x64xf32>
    %get3A_2 = arith.constant 0 : index
    %get3A_3 = arith.constant 0 : index
    %get3A_4 = vector.load %arg2[%get3A_2, %get3A_3] : memref<400x64xf32, #tpu.memory_space<vmem>>, vector<400x64xf32>
    %add3A = arith.addf %get3A_1, %get3A_4 : vector<400x64xf32>
    %max3A = arith.constant 1.000000e+00 : f32
    %max3A_5 = vector.broadcast %max3A : f32 to vector<400x64xf32>
    %max3A_6 = arith.maximumf %add3A, %max3A_5 : vector<400x64xf32>
    %div3A = arith.constant 1.000000e+00 : f32
    %div3A_7 = vector.broadcast %div3A : f32 to vector<400x64xf32>
    %div3A_8 = arith.divf %div3A_7, %max3A_6 : vector<400x64xf32>
    %swap3A = arith.constant 0 : index
    %swap3A_9 = arith.constant 0 : index
    %swap3A_10 = vector.load %arg3[%swap3A, %swap3A_9] : memref<400x64xf32, #tpu.memory_space<vmem>>, vector<400x64xf32>
    tpu.vector_store %arg3[%swap3A, %swap3A_9], %div3A_8 {strides = array<i32>} : memref<400x64xf32, #tpu.memory_space<vmem>>, vector<400x64xf32>,
    return
  }
  func.func @transform_0(%arg0: i32) -> (i32, i32) {
    %c0_i32 = arith.constant 0 : i32
    %c0_i32_0 = arith.constant 0 : i32
    return %arg0, %c0_i32 : i32, i32
  }
  func.func @transform_1(%arg0: i32) -> (i32, i32) {
    %c0_i32 = arith.constant 0 : i32
    %c0_i32_0 = arith.constant 0 : i32
    return %arg0, %c0_i32 : i32, i32
  }
  func.func @transform_2(%arg0: i32) -> (i32, i32) {
    %c0_i32 = arith.constant 0 : i32
    %c0_i32_0 = arith.constant 0 : i32
    return %arg0, %c0_i32 : i32, i32
  }
}

module attributes {stable_mosaic.version = 14 : i64} {
  func.func @_bmm_body(%arg0: i32, %arg1: memref<256x128xf32, #tpu.memory_space<vmem>>, %arg2: memref<128x4096xf32, #tpu.memory_space<vmem>>, %arg3: memref<256x4096xf32, #tpu.memory_space<vmem>>, %arg4: memref<256x128xf32, #tpu.memory_space<vmem>>) attributes {dimension_semantics = [#tpu.dimension_semantics<arbitrary>], iteration_bounds = array<i64: 625>, scalar_prefetch = 0 : i64, scratch_operands = 0 : i64, tpu.core_type = #tpu.core_type<tc>, window_params = [{transform_indices = @transform_0, window_bounds = array<i64: 256, 128>}, {pipeline_mode = #tpu.pipeline_mode<synchronous>, transform_indices = @transform_1, window_bounds = array<i64: 128, 4096>}, {transform_indices = @transform_2, window_bounds = array<i64: 256, 4096>}, {transform_indices = @transform_3, window_bounds = array<i64: 256, 128>}]} {
    %get3A = arith.constant 0 : index
    %get3A_0 = arith.constant 0 : index
    %get3A_1 = vector.load %arg3[%get3A, %get3A_0] : memref<256x4096xf32, #tpu.memory_space<vmem>>, vector<256x4096xf32>
    %get3A_2 = arith.constant 0 : index
    %get3A_3 = arith.constant 0 : index
    %get3A_4 = vector.load %arg1[%get3A_2, %get3A_3] : memref<256x128xf32, #tpu.memory_space<vmem>>, vector<256x128xf32>
    %get3A_5 = arith.constant 0 : index
    %get3A_6 = arith.constant 0 : index
    %get3A_7 = vector.load %arg2[%get3A_5, %get3A_6] : memref<128x4096xf32, #tpu.memory_space<vmem>>, vector<128x4096xf32>
    %dot_general3A = arith.constant dense<0.000000e+00> : vector<256x4096xf32>
    %dot_general3A_8 = tpu.matmul %get3A_4, %get3A_7, %dot_general3A {dimension_numbers = #tpu.dot_dimension_numbers<[1], [0], [0], [1], [0, 0, 1, 1], [], []>, transpose_lhs_hint = false} : vector<256x128xf32>, vector<128x4096xf32>, vector<256x4096xf32> -> vector<256x4096xf32>
    %slice3A = vector.extract_strided_slice %dot_general3A_8 {offsets = [0, 0], sizes = [256, 128], strides = [1, 1]} : vector<256x4096xf32> to vector<256x128xf32>
    %slice3A_9 = vector.extract_strided_slice %get3A_1 {offsets = [0, 0], sizes = [256, 128], strides = [1, 1]} : vector<256x4096xf32> to vector<256x128xf32>
    %mul3A = arith.mulf %slice3A, %slice3A_9 : vector<256x128xf32>
    %slice3A_10 = vector.extract_strided_slice %dot_general3A_8 {offsets = [0, 128], sizes = [256, 128], strides = [1, 1]} : vector<256x4096xf32> to vector<256x128xf32>
    %slice3A_11 = vector.extract_strided_slice %get3A_1 {offsets = [0, 128], sizes = [256, 128], strides = [1, 1]} : vector<256x4096xf32> to vector<256x128xf32>
    %mul3A_12 = arith.mulf %slice3A_10, %slice3A_11 : vector<256x128xf32>
    %add3A = arith.addf %mul3A, %mul3A_12 : vector<256x128xf32>
    %slice3A_13 = vector.extract_strided_slice %dot_general3A_8 {offsets = [0, 256], sizes = [256, 128], strides = [1, 1]} : vector<256x4096xf32> to vector<256x128xf32>
    %slice3A_14 = vector.extract_strided_slice %get3A_1 {offsets = [0, 256], sizes = [256, 128], strides = [1, 1]} : vector<256x4096xf32> to vector<256x128xf32>
    %mul3A_15 = arith.mulf %slice3A_13, %slice3A_14 : vector<256x128xf32>
    %add3A_16 = arith.addf %add3A, %mul3A_15 : vector<256x128xf32>
    %slice3A_17 = vector.extract_strided_slice %dot_general3A_8 {offsets = [0, 384], sizes = [256, 128], strides = [1, 1]} : vector<256x4096xf32> to vector<256x128xf32>
    %slice3A_18 = vector.extract_strided_slice %get3A_1 {offsets = [0, 384], sizes = [256, 128], strides = [1, 1]} : vector<256x4096xf32> to vector<256x128xf32>
    %mul3A_19 = arith.mulf %slice3A_17, %slice3A_18 : vector<256x128xf32>
    %add3A_20 = arith.addf %add3A_16, %mul3A_19 : vector<256x128xf32>
    %slice3A_21 = vector.extract_strided_slice %dot_general3A_8 {offsets = [0, 512], sizes = [256, 128], strides = [1, 1]} : vector<256x4096xf32> to vector<256x128xf32>
    %slice3A_22 = vector.extract_strided_slice %get3A_1 {offsets = [0, 512], sizes = [256, 128], strides = [1, 1]} : vector<256x4096xf32> to vector<256x128xf32>
    %mul3A_23 = arith.mulf %slice3A_21, %slice3A_22 : vector<256x128xf32>
    %add3A_24 = arith.addf %add3A_20, %mul3A_23 : vector<256x128xf32>
    %slice3A_25 = vector.extract_strided_slice %dot_general3A_8 {offsets = [0, 640], sizes = [256, 128], strides = [1, 1]} : vector<256x4096xf32> to vector<256x128xf32>
    %slice3A_26 = vector.extract_strided_slice %get3A_1 {offsets = [0, 640], sizes = [256, 128], strides = [1, 1]} : vector<256x4096xf32> to vector<256x128xf32>
    %mul3A_27 = arith.mulf %slice3A_25, %slice3A_26 : vector<256x128xf32>
    %add3A_28 = arith.addf %add3A_24, %mul3A_27 : vector<256x128xf32>
    %slice3A_29 = vector.extract_strided_slice %dot_general3A_8 {offsets = [0, 768], sizes = [256, 128], strides = [1, 1]} : vector<256x4096xf32> to vector<256x128xf32>
    %slice3A_30 = vector.extract_strided_slice %get3A_1 {offsets = [0, 768], sizes = [256, 128], strides = [1, 1]} : vector<256x4096xf32> to vector<256x128xf32>
    %mul3A_31 = arith.mulf %slice3A_29, %slice3A_30 : vector<256x128xf32>
    %add3A_32 = arith.addf %add3A_28, %mul3A_31 : vector<256x128xf32>
    %slice3A_33 = vector.extract_strided_slice %dot_general3A_8 {offsets = [0, 896], sizes = [256, 128], strides = [1, 1]} : vector<256x4096xf32> to vector<256x128xf32>
    %slice3A_34 = vector.extract_strided_slice %get3A_1 {offsets = [0, 896], sizes = [256, 128], strides = [1, 1]} : vector<256x4096xf32> to vector<256x128xf32>
    %mul3A_35 = arith.mulf %slice3A_33, %slice3A_34 : vector<256x128xf32>
    %add3A_36 = arith.addf %add3A_32, %mul3A_35 : vector<256x128xf32>
    %slice3A_37 = vector.extract_strided_slice %dot_general3A_8 {offsets = [0, 1024], sizes = [256, 128], strides = [1, 1]} : vector<256x4096xf32> to vector<256x128xf32>
    %slice3A_38 = vector.extract_strided_slice %get3A_1 {offsets = [0, 1024], sizes = [256, 128], strides = [1, 1]} : vector<256x4096xf32> to vector<256x128xf32>
    %mul3A_39 = arith.mulf %slice3A_37, %slice3A_38 : vector<256x128xf32>
    %add3A_40 = arith.addf %add3A_36, %mul3A_39 : vector<256x128xf32>
    %slice3A_41 = vector.extract_strided_slice %dot_general3A_8 {offsets = [0, 1152], sizes = [256, 128], strides = [1, 1]} : vector<256x4096xf32> to vector<256x128xf32>
    %slice3A_42 = vector.extract_strided_slice %get3A_1 {offsets = [0, 1152], sizes = [256, 128], strides = [1, 1]} : vector<256x4096xf32> to vector<256x128xf32>
    %mul3A_43 = arith.mulf %slice3A_41, %slice3A_42 : vector<256x128xf32>
    %add3A_44 = arith.addf %add3A_40, %mul3A_43 : vector<256x128xf32>
    %slice3A_45 = vector.extract_strided_slice %dot_general3A_8 {offsets = [0, 1280], sizes = [256, 128], strides = [1, 1]} : vector<256x4096xf32> to vector<256x128xf32>
    %slice3A_46 = vector.extract_strided_slice %get3A_1 {offsets = [0, 1280], sizes = [256, 128], strides = [1, 1]} : vector<256x4096xf32> to vector<256x128xf32>
    %mul3A_47 = arith.mulf %slice3A_45, %slice3A_46 : vector<256x128xf32>
    %add3A_48 = arith.addf %add3A_44, %mul3A_47 : vector<256x128xf32>
    %slice3A_49 = vector.extract_strided_slice %dot_general3A_8 {offsets = [0, 1408], sizes = [256, 128], strides = [1, 1]} : vector<256x4096xf32> to vector<256x128xf32>
    %slice3A_50 = vector.extract_strided_slice %get3A_1 {offsets = [0, 1408], sizes = [256, 128], strides = [1, 1]} : vector<256x4096xf32> to vector<256x128xf32>
    %mul3A_51 = arith.mulf %slice3A_49, %slice3A_50 : vector<256x128xf32>
    %add3A_52 = arith.addf %add3A_48, %mul3A_51 : vector<256x128xf32>
    %slice3A_53 = vector.extract_strided_slice %dot_general3A_8 {offsets = [0, 1536], sizes = [256, 128], strides = [1, 1]} : vector<256x4096xf32> to vector<256x128xf32>
    %slice3A_54 = vector.extract_strided_slice %get3A_1 {offsets = [0, 1536], sizes = [256, 128], strides = [1, 1]} : vector<256x4096xf32> to vector<256x128xf32>
    %mul3A_55 = arith.mulf %slice3A_53, %slice3A_54 : vector<256x128xf32>
    %add3A_56 = arith.addf %add3A_52, %mul3A_55 : vector<256x128xf32>
    %slice3A_57 = vector.extract_strided_slice %dot_general3A_8 {offsets = [0, 1664], sizes = [256, 128], strides = [1, 1]} : vector<256x4096xf32> to vector<256x128xf32>
    %slice3A_58 = vector.extract_strided_slice %get3A_1 {offsets = [0, 1664], sizes = [256, 128], strides = [1, 1]} : vector<256x4096xf32> to vector<256x128xf32>
    %mul3A_59 = arith.mulf %slice3A_57, %slice3A_58 : vector<256x128xf32>
    %add3A_60 = arith.addf %add3A_56, %mul3A_59 : vector<256x128xf32>
    %slice3A_61 = vector.extract_strided_slice %dot_general3A_8 {offsets = [0, 1792], sizes = [256, 128], strides = [1, 1]} : vector<256x4096xf32> to vector<256x128xf32>
    %slice3A_62 = vector.extract_strided_slice %get3A_1 {offsets = [0, 1792], sizes = [256, 128], strides = [1, 1]} : vector<256x4096xf32> to vector<256x128xf32>
    %mul3A_63 = arith.mulf %slice3A_61, %slice3A_62 : vector<256x128xf32>
    %add3A_64 = arith.addf %add3A_60, %mul3A_63 : vector<256x128xf32>
    %slice3A_65 = vector.extract_strided_slice %dot_general3A_8 {offsets = [0, 1920], sizes = [256, 128], strides = [1, 1]} : vector<256x4096xf32> to vector<256x128xf32>
    %slice3A_66 = vector.extract_strided_slice %get3A_1 {offsets = [0, 1920], sizes = [256, 128], strides = [1, 1]} : vector<256x4096xf32> to vector<256x128xf32>
    %mul3A_67 = arith.mulf %slice3A_65, %slice3A_66 : vector<256x128xf32>
    %add3A_68 = arith.addf %add3A_64, %mul3A_67 : vector<256x128xf32>
    %slice3A_69 = vector.extract_strided_slice %dot_general3A_8 {offsets = [0, 2048], sizes = [256, 128], strides = [1, 1]} : vector<256x4096xf32> to vector<256x128xf32>
    %slice3A_70 = vector.extract_strided_slice %get3A_1 {offsets = [0, 2048], sizes = [256, 128], strides = [1, 1]} : vector<256x4096xf32> to vector<256x128xf32>
    %mul3A_71 = arith.mulf %slice3A_69, %slice3A_70 : vector<256x128xf32>
    %add3A_72 = arith.addf %add3A_68, %mul3A_71 : vector<256x128xf32>
    %slice3A_73 = vector.extract_strided_slice %dot_general3A_8 {offsets = [0, 2176], sizes = [256, 128], strides = [1, 1]} : vector<256x4096xf32> to vector<256x128xf32>
    %slice3A_74 = vector.extract_strided_slice %get3A_1 {offsets = [0, 2176], sizes = [256, 128], strides = [1, 1]} : vector<256x4096xf32> to vector<256x128xf32>
    %mul3A_75 = arith.mulf %slice3A_73, %slice3A_74 : vector<256x128xf32>
    %add3A_76 = arith.addf %add3A_72, %mul3A_75 : vector<256x128xf32>
    %slice3A_77 = vector.extract_strided_slice %dot_general3A_8 {offsets = [0, 2304], sizes = [256, 128], strides = [1, 1]} : vector<256x4096xf32> to vector<256x128xf32>
    %slice3A_78 = vector.extract_strided_slice %get3A_1 {offsets = [0, 2304], sizes = [256, 128], strides = [1, 1]} : vector<256x4096xf32> to vector<256x128xf32>
    %mul3A_79 = arith.mulf %slice3A_77, %slice3A_78 : vector<256x128xf32>
    %add3A_80 = arith.addf %add3A_76, %mul3A_79 : vector<256x128xf32>
    %slice3A_81 = vector.extract_strided_slice %dot_general3A_8 {offsets = [0, 2432], sizes = [256, 128], strides = [1, 1]} : vector<256x4096xf32> to vector<256x128xf32>
    %slice3A_82 = vector.extract_strided_slice %get3A_1 {offsets = [0, 2432], sizes = [256, 128], strides = [1, 1]} : vector<256x4096xf32> to vector<256x128xf32>
    %mul3A_83 = arith.mulf %slice3A_81, %slice3A_82 : vector<256x128xf32>
    %add3A_84 = arith.addf %add3A_80, %mul3A_83 : vector<256x128xf32>
    %slice3A_85 = vector.extract_strided_slice %dot_general3A_8 {offsets = [0, 2560], sizes = [256, 128], strides = [1, 1]} : vector<256x4096xf32> to vector<256x128xf32>
    %slice3A_86 = vector.extract_strided_slice %get3A_1 {offsets = [0, 2560], sizes = [256, 128], strides = [1, 1]} : vector<256x4096xf32> to vector<256x128xf32>
    %mul3A_87 = arith.mulf %slice3A_85, %slice3A_86 : vector<256x128xf32>
    %add3A_88 = arith.addf %add3A_84, %mul3A_87 : vector<256x128xf32>
    %slice3A_89 = vector.extract_strided_slice %dot_general3A_8 {offsets = [0, 2688], sizes = [256, 128], strides = [1, 1]} : vector<256x4096xf32> to vector<256x128xf32>
    %slice3A_90 = vector.extract_strided_slice %get3A_1 {offsets = [0, 2688], sizes = [256, 128], strides = [1, 1]} : vector<256x4096xf32> to vector<256x128xf32>
    %mul3A_91 = arith.mulf %slice3A_89, %slice3A_90 : vector<256x128xf32>
    %add3A_92 = arith.addf %add3A_88, %mul3A_91 : vector<256x128xf32>
    %slice3A_93 = vector.extract_strided_slice %dot_general3A_8 {offsets = [0, 2816], sizes = [256, 128], strides = [1, 1]} : vector<256x4096xf32> to vector<256x128xf32>
    %slice3A_94 = vector.extract_strided_slice %get3A_1 {offsets = [0, 2816], sizes = [256, 128], strides = [1, 1]} : vector<256x4096xf32> to vector<256x128xf32>
    %mul3A_95 = arith.mulf %slice3A_93, %slice3A_94 : vector<256x128xf32>
    %add3A_96 = arith.addf %add3A_92, %mul3A_95 : vector<256x128xf32>
    %slice3A_97 = vector.extract_strided_slice %dot_general3A_8 {offsets = [0, 2944], sizes = [256, 128], strides = [1, 1]} : vector<256x4096xf32> to vector<256x128xf32>
    %slice3A_98 = vector.extract_strided_slice %get3A_1 {offsets = [0, 2944], sizes = [256, 128], strides = [1, 1]} : vector<256x4096xf32> to vector<256x128xf32>
    %mul3A_99 = arith.mulf %slice3A_97, %slice3A_98 : vector<256x128xf32>
    %add3A_100 = arith.addf %add3A_96, %mul3A_99 : vector<256x128xf32>
    %slice3A_101 = vector.extract_strided_slice %dot_general3A_8 {offsets = [0, 3072], sizes = [256, 128], strides = [1, 1]} : vector<256x4096xf32> to vector<256x128xf32>
    %slice3A_102 = vector.extract_strided_slice %get3A_1 {offsets = [0, 3072], sizes = [256, 128], strides = [1, 1]} : vector<256x4096xf32> to vector<256x128xf32>
    %mul3A_103 = arith.mulf %slice3A_101, %slice3A_102 : vector<256x128xf32>
    %add3A_104 = arith.addf %add3A_100, %mul3A_103 : vector<256x128xf32>
    %slice3A_105 = vector.extract_strided_slice %dot_general3A_8 {offsets = [0, 3200], sizes = [256, 128], strides = [1, 1]} : vector<256x4096xf32> to vector<256x128xf32>
    %slice3A_106 = vector.extract_strided_slice %get3A_1 {offsets = [0, 3200], sizes = [256, 128], strides = [1, 1]} : vector<256x4096xf32> to vector<256x128xf32>
    %mul3A_107 = arith.mulf %slice3A_105, %slice3A_106 : vector<256x128xf32>
    %add3A_108 = arith.addf %add3A_104, %mul3A_107 : vector<256x128xf32>
    %slice3A_109 = vector.extract_strided_slice %dot_general3A_8 {offsets = [0, 3328], sizes = [256, 128], strides = [1, 1]} : vector<256x4096xf32> to vector<256x128xf32>
    %slice3A_110 = vector.extract_strided_slice %get3A_1 {offsets = [0, 3328], sizes = [256, 128], strides = [1, 1]} : vector<256x4096xf32> to vector<256x128xf32>
    %mul3A_111 = arith.mulf %slice3A_109, %slice3A_110 : vector<256x128xf32>
    %add3A_112 = arith.addf %add3A_108, %mul3A_111 : vector<256x128xf32>
    %slice3A_113 = vector.extract_strided_slice %dot_general3A_8 {offsets = [0, 3456], sizes = [256, 128], strides = [1, 1]} : vector<256x4096xf32> to vector<256x128xf32>
    %slice3A_114 = vector.extract_strided_slice %get3A_1 {offsets = [0, 3456], sizes = [256, 128], strides = [1, 1]} : vector<256x4096xf32> to vector<256x128xf32>
    %mul3A_115 = arith.mulf %slice3A_113, %slice3A_114 : vector<256x128xf32>
    %add3A_116 = arith.addf %add3A_112, %mul3A_115 : vector<256x128xf32>
    %slice3A_117 = vector.extract_strided_slice %dot_general3A_8 {offsets = [0, 3584], sizes = [256, 128], strides = [1, 1]} : vector<256x4096xf32> to vector<256x128xf32>
    %slice3A_118 = vector.extract_strided_slice %get3A_1 {offsets = [0, 3584], sizes = [256, 128], strides = [1, 1]} : vector<256x4096xf32> to vector<256x128xf32>
    %mul3A_119 = arith.mulf %slice3A_117, %slice3A_118 : vector<256x128xf32>
    %add3A_120 = arith.addf %add3A_116, %mul3A_119 : vector<256x128xf32>
    %slice3A_121 = vector.extract_strided_slice %dot_general3A_8 {offsets = [0, 3712], sizes = [256, 128], strides = [1, 1]} : vector<256x4096xf32> to vector<256x128xf32>
    %slice3A_122 = vector.extract_strided_slice %get3A_1 {offsets = [0, 3712], sizes = [256, 128], strides = [1, 1]} : vector<256x4096xf32> to vector<256x128xf32>
    %mul3A_123 = arith.mulf %slice3A_121, %slice3A_122 : vector<256x128xf32>
    %add3A_124 = arith.addf %add3A_120, %mul3A_123 : vector<256x128xf32>
    %slice3A_125 = vector.extract_strided_slice %dot_general3A_8 {offsets = [0, 3840], sizes = [256, 128], strides = [1, 1]} : vector<256x4096xf32> to vector<256x128xf32>
    %slice3A_126 = vector.extract_strided_slice %get3A_1 {offsets = [0, 3840], sizes = [256, 128], strides = [1, 1]} : vector<256x4096xf32> to vector<256x128xf32>
    %mul3A_127 = arith.mulf %slice3A_125, %slice3A_126 : vector<256x128xf32>
    %add3A_128 = arith.addf %add3A_124, %mul3A_127 : vector<256x128xf32>
    %slice3A_129 = vector.extract_strided_slice %dot_general3A_8 {offsets = [0, 3968], sizes = [256, 128], strides = [1, 1]} : vector<256x4096xf32> to vector<256x128xf32>
    %slice3A_130 = vector.extract_strided_slice %get3A_1 {offsets = [0, 3968], sizes = [256, 128], strides = [1, 1]} : vector<256x4096xf32> to vector<256x128xf32>
    %mul3A_131 = arith.mulf %slice3A_129, %slice3A_130 : vector<256x128xf32>
    %add3A_132 = arith.addf %add3A_128, %mul3A_131 : vector<256x128xf32>
    %slice3A_133 = vector.extract_strided_slice %add3A_132 {offsets = [0, 0], sizes = [256, 64], strides = [1, 1]} : vector<256x128xf32> to vector<256x64xf32>
    %slice3A_134 = vector.extract_strided_slice %add3A_132 {offsets = [0, 64], sizes = [256, 64], strides = [1, 1]} : vector<256x128xf32> to vector<256x64xf32>
    %add3A_135 = arith.addf %slice3A_133, %slice3A_134 : vector<256x64xf32>
    %swap3A = arith.constant 0 : index
    %swap3A_136 = arith.constant 0 : index
    %swap3A_137 = vector.load %arg4[%swap3A, %swap3A_136] : memref<256x128xf32, #tpu.memory_space<vmem>>, vector<256x64xf32>
    tpu.vector_store %arg4[%swap3A, %swap3A_136], %add3A_135 {strides = array<i32>} : memref<256x128xf32, #tpu.memory_space<vmem>>, vector<256x64xf32>,
    %broadcast_in_dim3A = arith.constant 0.000000e+00 : f32
    %broadcast_in_dim3A_138 = vector.broadcast %broadcast_in_dim3A : f32 to vector<256x64xf32>
    %swap3A_139 = arith.constant 0 : index
    %swap3A_140 = arith.constant 64 : index
    %swap3A_141 = vector.load %arg4[%swap3A_139, %swap3A_140] : memref<256x128xf32, #tpu.memory_space<vmem>>, vector<256x64xf32>
    tpu.vector_store %arg4[%swap3A_139, %swap3A_140], %broadcast_in_dim3A_138 {strides = array<i32>} : memref<256x128xf32, #tpu.memory_space<vmem>>, vector<256x64xf32>,
    return
  }
  func.func @transform_0(%arg0: i32) -> (i32, i32) {
    %c0_i32 = arith.constant 0 : i32
    %c0_i32_0 = arith.constant 0 : i32
    return %arg0, %c0_i32 : i32, i32
  }
  func.func @transform_1(%arg0: i32) -> (i32, i32) {
    %c0_i32 = arith.constant 0 : i32
    %c0_i32_0 = arith.constant 0 : i32
    %c0_i32_1 = arith.constant 0 : i32
    return %c0_i32, %c0_i32_0 : i32, i32
  }
  func.func @transform_2(%arg0: i32) -> (i32, i32) {
    %c0_i32 = arith.constant 0 : i32
    %c0_i32_0 = arith.constant 0 : i32
    return %arg0, %c0_i32 : i32, i32
  }
  func.func @transform_3(%arg0: i32) -> (i32, i32) {
    %c0_i32 = arith.constant 0 : i32
    %c0_i32_0 = arith.constant 0 : i32
    return %arg0, %c0_i32 : i32, i32
  }
}

module attributes {stable_mosaic.version = 14 : i64} {
  func.func @_gru_body(%arg0: i32, %arg1: memref<400x64xf32, #tpu.memory_space<vmem>>, %arg2: memref<400x64xf32, #tpu.memory_space<vmem>>, %arg3: memref<400x64xf32, #tpu.memory_space<vmem>>, %arg4: memref<400x64xf32, #tpu.memory_space<vmem>>, %arg5: memref<1x64xf32, #tpu.memory_space<vmem>>, %arg6: memref<64x192xf32, #tpu.memory_space<vmem>>, %arg7: memref<64x192xf32, #tpu.memory_space<vmem>>, %arg8: memref<1x192xf32, #tpu.memory_space<vmem>>, %arg9: memref<1x192xf32, #tpu.memory_space<vmem>>, %arg10: memref<400x64xf32, #tpu.memory_space<vmem>>) attributes {dimension_semantics = [#tpu.dimension_semantics<arbitrary>], iteration_bounds = array<i64: 25>, scalar_prefetch = 0 : i64, scratch_operands = 0 : i64, tpu.core_type = #tpu.core_type<tc>, window_params = [{transform_indices = @transform_0, window_bounds = array<i64: 400, 64>}, {transform_indices = @transform_1, window_bounds = array<i64: 400, 64>}, {transform_indices = @transform_2, window_bounds = array<i64: 400, 64>}, {transform_indices = @transform_3, window_bounds = array<i64: 400, 64>}, {pipeline_mode = #tpu.pipeline_mode<synchronous>, transform_indices = @transform_4, window_bounds = array<i64: 1, 64>}, {pipeline_mode = #tpu.pipeline_mode<synchronous>, transform_indices = @transform_5, window_bounds = array<i64: 64, 192>}, {pipeline_mode = #tpu.pipeline_mode<synchronous>, transform_indices = @transform_6, window_bounds = array<i64: 64, 192>}, {pipeline_mode = #tpu.pipeline_mode<synchronous>, transform_indices = @transform_7, window_bounds = array<i64: 1, 192>}, {pipeline_mode = #tpu.pipeline_mode<synchronous>, transform_indices = @transform_8, window_bounds = array<i64: 1, 192>}, {transform_indices = @transform_9, window_bounds = array<i64: 400, 64>}]} {
    %get3A = arith.constant 0 : index
    %get3A_0 = arith.constant 0 : index
    %get3A_1 = vector.load %arg1[%get3A, %get3A_0] : memref<400x64xf32, #tpu.memory_space<vmem>>, vector<400x64xf32>
    %get3A_2 = arith.constant 0 : index
    %get3A_3 = arith.constant 0 : index
    %get3A_4 = vector.load %arg2[%get3A_2, %get3A_3] : memref<400x64xf32, #tpu.memory_space<vmem>>, vector<400x64xf32>
    %add3A = arith.addf %get3A_1, %get3A_4 : vector<400x64xf32>
    %get3A_5 = arith.constant 0 : index
    %get3A_6 = arith.constant 0 : index
    %get3A_7 = vector.load %arg3[%get3A_5, %get3A_6] : memref<400x64xf32, #tpu.memory_space<vmem>>, vector<400x64xf32>
    %mul3A = arith.mulf %add3A, %get3A_7 : vector<400x64xf32>
    %get3A_8 = arith.constant 0 : index
    %get3A_9 = arith.constant 0 : index
    %get3A_10 = vector.load %arg5[%get3A_8, %get3A_9] : memref<1x64xf32, #tpu.memory_space<vmem>>, vector<1x64xf32>
    %add3A_11 = vector.broadcast %get3A_10 : vector<1x64xf32> to vector<400x64xf32>
    %add3A_12 = arith.addf %mul3A, %add3A_11 : vector<400x64xf32>
    %max3A = arith.constant 0.000000e+00 : f32
    %max3A_13 = vector.broadcast %max3A : f32 to vector<400x64xf32>
    %max3A_14 = arith.maximumf %add3A_12, %max3A_13 : vector<400x64xf32>
    %get3A_15 = arith.constant 0 : index
    %get3A_16 = arith.constant 0 : index
    %get3A_17 = vector.load %arg4[%get3A_15, %get3A_16] : memref<400x64xf32, #tpu.memory_space<vmem>>, vector<400x64xf32>
    %get3A_18 = arith.constant 0 : index
    %get3A_19 = arith.constant 0 : index
    %get3A_20 = vector.load %arg6[%get3A_18, %get3A_19] : memref<64x192xf32, #tpu.memory_space<vmem>>, vector<64x192xf32>
    %dot_general3A = arith.constant dense<0.000000e+00> : vector<400x192xf32>
    %dot_general3A_21 = tpu.matmul %max3A_14, %get3A_20, %dot_general3A {dimension_numbers = #tpu.dot_dimension_numbers<[1], [0], [0], [1], [0, 0, 1, 1], [], []>, transpose_lhs_hint = false} : vector<400x64xf32>, vector<64x192xf32>, vector<400x192xf32> -> vector<400x192xf32>
    %get3A_22 = arith.constant 0 : index
    %get3A_23 = arith.constant 0 : index
    %get3A_24 = vector.load %arg8[%get3A_22, %get3A_23] : memref<1x192xf32, #tpu.memory_space<vmem>>, vector<1x192xf32>
    %add3A_25 = vector.broadcast %get3A_24 : vector<1x192xf32> to vector<400x192xf32>
    %add3A_26 = arith.addf %dot_general3A_21, %add3A_25 : vector<400x192xf32>
    %get3A_27 = arith.constant 0 : index
    %get3A_28 = arith.constant 0 : index
    %get3A_29 = vector.load %arg7[%get3A_27, %get3A_28] : memref<64x192xf32, #tpu.memory_space<vmem>>, vector<64x192xf32>
    %dot_general3A_30 = arith.constant dense<0.000000e+00> : vector<400x192xf32>
    %dot_general3A_31 = tpu.matmul %get3A_17, %get3A_29, %dot_general3A_30 {dimension_numbers = #tpu.dot_dimension_numbers<[1], [0], [0], [1], [0, 0, 1, 1], [], []>, transpose_lhs_hint = false} : vector<400x64xf32>, vector<64x192xf32>, vector<400x192xf32> -> vector<400x192xf32>
    %get3A_32 = arith.constant 0 : index
    %get3A_33 = arith.constant 0 : index
    %get3A_34 = vector.load %arg9[%get3A_32, %get3A_33] : memref<1x192xf32, #tpu.memory_space<vmem>>, vector<1x192xf32>
    %add3A_35 = vector.broadcast %get3A_34 : vector<1x192xf32> to vector<400x192xf32>
    %add3A_36 = arith.addf %dot_general3A_31, %add3A_35 : vector<400x192xf32>
    %slice3A = vector.extract_strided_slice %add3A_26 {offsets = [0, 0], sizes = [400, 64], strides = [1, 1]} : vector<400x192xf32> to vector<400x64xf32>
    %slice3A_37 = vector.extract_strided_slice %add3A_36 {offsets = [0, 0], sizes = [400, 64], strides = [1, 1]} : vector<400x192xf32> to vector<400x64xf32>
    %add3A_38 = arith.addf %slice3A, %slice3A_37 : vector<400x64xf32>
    %logistic3A = arith.negf %add3A_38 : vector<400x64xf32>
    %logistic3A_39 = math.exp %logistic3A : vector<400x64xf32>
    %logistic3A_40 = arith.constant 1.000000e+00 : f32
    %logistic3A_41 = vector.broadcast %logistic3A_40 : f32 to vector<400x64xf32>
    %logistic3A_42 = arith.addf %logistic3A_41, %logistic3A_39 : vector<400x64xf32>
    %logistic3A_43 = arith.divf %logistic3A_41, %logistic3A_42 : vector<400x64xf32>
    %slice3A_44 = vector.extract_strided_slice %add3A_26 {offsets = [0, 64], sizes = [400, 64], strides = [1, 1]} : vector<400x192xf32> to vector<400x64xf32>
    %slice3A_45 = vector.extract_strided_slice %add3A_36 {offsets = [0, 64], sizes = [400, 64], strides = [1, 1]} : vector<400x192xf32> to vector<400x64xf32>
    %add3A_46 = arith.addf %slice3A_44, %slice3A_45 : vector<400x64xf32>
    %logistic3A_47 = arith.negf %add3A_46 : vector<400x64xf32>
    %logistic3A_48 = math.exp %logistic3A_47 : vector<400x64xf32>
    %logistic3A_49 = arith.constant 1.000000e+00 : f32
    %logistic3A_50 = vector.broadcast %logistic3A_49 : f32 to vector<400x64xf32>
    %logistic3A_51 = arith.addf %logistic3A_50, %logistic3A_48 : vector<400x64xf32>
    %logistic3A_52 = arith.divf %logistic3A_50, %logistic3A_51 : vector<400x64xf32>
    %slice3A_53 = vector.extract_strided_slice %add3A_26 {offsets = [0, 128], sizes = [400, 64], strides = [1, 1]} : vector<400x192xf32> to vector<400x64xf32>
    %slice3A_54 = vector.extract_strided_slice %add3A_36 {offsets = [0, 128], sizes = [400, 64], strides = [1, 1]} : vector<400x192xf32> to vector<400x64xf32>
    %mul3A_55 = arith.mulf %logistic3A_43, %slice3A_54 : vector<400x64xf32>
    %add3A_56 = arith.addf %slice3A_53, %mul3A_55 : vector<400x64xf32>
    %tanh3A = math.tanh %add3A_56 : vector<400x64xf32>
    %sub3A = arith.constant 1.000000e+00 : f32
    %sub3A_57 = vector.broadcast %sub3A : f32 to vector<400x64xf32>
    %sub3A_58 = arith.subf %sub3A_57, %logistic3A_52 : vector<400x64xf32>
    %mul3A_59 = arith.mulf %sub3A_58, %tanh3A : vector<400x64xf32>
    %mul3A_60 = arith.mulf %logistic3A_52, %get3A_17 : vector<400x64xf32>
    %add3A_61 = arith.addf %mul3A_59, %mul3A_60 : vector<400x64xf32>
    %swap3A = arith.constant 0 : index
    %swap3A_62 = arith.constant 0 : index
    %swap3A_63 = vector.load %arg10[%swap3A, %swap3A_62] : memref<400x64xf32, #tpu.memory_space<vmem>>, vector<400x64xf32>
    tpu.vector_store %arg10[%swap3A, %swap3A_62], %add3A_61 {strides = array<i32>} : memref<400x64xf32, #tpu.memory_space<vmem>>, vector<400x64xf32>,
    return
  }
  func.func @transform_0(%arg0: i32) -> (i32, i32) {
    %c0_i32 = arith.constant 0 : i32
    %c0_i32_0 = arith.constant 0 : i32
    return %arg0, %c0_i32 : i32, i32
  }
  func.func @transform_1(%arg0: i32) -> (i32, i32) {
    %c0_i32 = arith.constant 0 : i32
    %c0_i32_0 = arith.constant 0 : i32
    return %arg0, %c0_i32 : i32, i32
  }
  func.func @transform_2(%arg0: i32) -> (i32, i32) {
    %c0_i32 = arith.constant 0 : i32
    %c0_i32_0 = arith.constant 0 : i32
    return %arg0, %c0_i32 : i32, i32
  }
  func.func @transform_3(%arg0: i32) -> (i32, i32) {
    %c0_i32 = arith.constant 0 : i32
    %c0_i32_0 = arith.constant 0 : i32
    return %arg0, %c0_i32 : i32, i32
  }
  func.func @transform_4(%arg0: i32) -> (i32, i32) {
    %c0_i32 = arith.constant 0 : i32
    %c0_i32_0 = arith.constant 0 : i32
    %c0_i32_1 = arith.constant 0 : i32
    return %c0_i32, %c0_i32_0 : i32, i32
  }
  func.func @transform_5(%arg0: i32) -> (i32, i32) {
    %c0_i32 = arith.constant 0 : i32
    %c0_i32_0 = arith.constant 0 : i32
    %c0_i32_1 = arith.constant 0 : i32
    return %c0_i32, %c0_i32_0 : i32, i32
  }
  func.func @transform_6(%arg0: i32) -> (i32, i32) {
    %c0_i32 = arith.constant 0 : i32
    %c0_i32_0 = arith.constant 0 : i32
    %c0_i32_1 = arith.constant 0 : i32
    return %c0_i32, %c0_i32_0 : i32, i32
  }
  func.func @transform_7(%arg0: i32) -> (i32, i32) {
    %c0_i32 = arith.constant 0 : i32
    %c0_i32_0 = arith.constant 0 : i32
    %c0_i32_1 = arith.constant 0 : i32
    return %c0_i32, %c0_i32_0 : i32, i32
  }
  func.func @transform_8(%arg0: i32) -> (i32, i32) {
    %c0_i32 = arith.constant 0 : i32
    %c0_i32_0 = arith.constant 0 : i32
    %c0_i32_1 = arith.constant 0 : i32
    return %c0_i32, %c0_i32_0 : i32, i32
  }
  func.func @transform_9(%arg0: i32) -> (i32, i32) {
    %c0_i32 = arith.constant 0 : i32
    %c0_i32_0 = arith.constant 0 : i32
    return %arg0, %c0_i32 : i32, i32
  }
}

module attributes {stable_mosaic.version = 14 : i64} {
  func.func @_s2s_body(%arg0: memref<10000x64xf32, #tpu.memory_space<vmem>>, %arg1: memref<10000x1xi32, #tpu.memory_space<vmem>>, %arg2: memref<64x256xf32, #tpu.memory_space<vmem>>, %arg3: memref<64x256xf32, #tpu.memory_space<vmem>>, %arg4: memref<64x256xf32, #tpu.memory_space<vmem>>, %arg5: memref<1x256xf32, #tpu.memory_space<vmem>>, %arg6: memref<1x256xf32, #tpu.memory_space<vmem>>, %arg7: memref<64x64xf32, #tpu.memory_space<vmem>>, %arg8: memref<64x64xf32, #tpu.memory_space<vmem>>, %arg9: memref<1x64xf32, #tpu.memory_space<vmem>>, %arg10: memref<64x12xf32, #tpu.memory_space<vmem>>, %arg11: memref<1x12xf32, #tpu.memory_space<vmem>>, %arg12: memref<512x12xf32, #tpu.memory_space<vmem>>) attributes {dimension_semantics = [], scalar_prefetch = 0 : i64, scratch_operands = 0 : i64, tpu.core_type = #tpu.core_type<tc>} {
    %iota3A = tpu.iota {dimensions = array<i32: 1>} : vector<2000x512xi32>
    %broadcast_in_dim3A = arith.constant 0.000000e+00 : f32
    %broadcast_in_dim3A_0 = vector.broadcast %broadcast_in_dim3A : f32 to vector<512x64xf32>
    %scan3A = arith.constant 0 : i32
    %scan3A_1 = arith.constant 6 : i32
    %scan3A_2 = arith.addi %scan3A, %scan3A_1 : i32
    %scan3A_3 = arith.constant 1 : i32
    %scan3A_4:4 = scf.for %scan3A_32 = %scan3A to %scan3A_2 step %scan3A_3 iter_args(%scan3A_33 = %broadcast_in_dim3A_0, %scan3A_34 = %broadcast_in_dim3A_0, %scan3A_35 = %broadcast_in_dim3A_0, %scan3A_36 = %broadcast_in_dim3A_0) -> (vector<512x64xf32>, vector<512x64xf32>, vector<512x64xf32>, vector<512x64xf32>)  : i32 {
      %get3A_37 = arith.constant 0 : index
      %get3A_38 = arith.constant 0 : index
      %get3A_39 = vector.load %arg2[%get3A_37, %get3A_38] : memref<64x256xf32, #tpu.memory_space<vmem>>, vector<64x256xf32>
      %dot_general3A_40 = arith.constant dense<0.000000e+00> : vector<512x256xf32>
      %dot_general3A_41 = tpu.matmul %scan3A_33, %get3A_39, %dot_general3A_40 {dimension_numbers = #tpu.dot_dimension_numbers<[1], [0], [0], [1], [0, 0, 1, 1], [], []>, transpose_lhs_hint = false} : vector<512x64xf32>, vector<64x256xf32>, vector<512x256xf32> -> vector<512x256xf32>
      %get3A_42 = arith.constant 0 : index
      %get3A_43 = arith.constant 0 : index
      %get3A_44 = vector.load %arg3[%get3A_42, %get3A_43] : memref<64x256xf32, #tpu.memory_space<vmem>>, vector<64x256xf32>
      %dot_general3A_45 = arith.constant dense<0.000000e+00> : vector<512x256xf32>
      %dot_general3A_46 = tpu.matmul %scan3A_34, %get3A_44, %dot_general3A_45 {dimension_numbers = #tpu.dot_dimension_numbers<[1], [0], [0], [1], [0, 0, 1, 1], [], []>, transpose_lhs_hint = false} : vector<512x64xf32>, vector<64x256xf32>, vector<512x256xf32> -> vector<512x256xf32>
      %add3A_47 = arith.addf %dot_general3A_41, %dot_general3A_46 : vector<512x256xf32>
      %get3A_48 = arith.constant 0 : index
      %get3A_49 = arith.constant 0 : index
      %get3A_50 = vector.load %arg4[%get3A_48, %get3A_49] : memref<64x256xf32, #tpu.memory_space<vmem>>, vector<64x256xf32>
      %dot_general3A_51 = arith.constant dense<0.000000e+00> : vector<512x256xf32>
      %dot_general3A_52 = tpu.matmul %scan3A_35, %get3A_50, %dot_general3A_51 {dimension_numbers = #tpu.dot_dimension_numbers<[1], [0], [0], [1], [0, 0, 1, 1], [], []>, transpose_lhs_hint = false} : vector<512x64xf32>, vector<64x256xf32>, vector<512x256xf32> -> vector<512x256xf32>
      %add3A_53 = arith.addf %add3A_47, %dot_general3A_52 : vector<512x256xf32>
      %get3A_54 = arith.constant 0 : index
      %get3A_55 = arith.constant 0 : index
      %get3A_56 = vector.load %arg5[%get3A_54, %get3A_55] : memref<1x256xf32, #tpu.memory_space<vmem>>, vector<1x256xf32>
      %add3A_57 = vector.broadcast %get3A_56 : vector<1x256xf32> to vector<512x256xf32>
      %add3A_58 = arith.addf %add3A_53, %add3A_57 : vector<512x256xf32>
      %get3A_59 = arith.constant 0 : index
      %get3A_60 = arith.constant 0 : index
      %get3A_61 = vector.load %arg6[%get3A_59, %get3A_60] : memref<1x256xf32, #tpu.memory_space<vmem>>, vector<1x256xf32>
      %add3A_62 = vector.broadcast %get3A_61 : vector<1x256xf32> to vector<512x256xf32>
      %add3A_63 = arith.addf %add3A_58, %add3A_62 : vector<512x256xf32>
      %slice3A = vector.extract_strided_slice %add3A_63 {offsets = [0, 0], sizes = [512, 64], strides = [1, 1]} : vector<512x256xf32> to vector<512x64xf32>
      %logistic3A = arith.negf %slice3A : vector<512x64xf32>
      %logistic3A_64 = math.exp %logistic3A : vector<512x64xf32>
      %logistic3A_65 = arith.constant 1.000000e+00 : f32
      %logistic3A_66 = vector.broadcast %logistic3A_65 : f32 to vector<512x64xf32>
      %logistic3A_67 = arith.addf %logistic3A_66, %logistic3A_64 : vector<512x64xf32>
      %logistic3A_68 = arith.divf %logistic3A_66, %logistic3A_67 : vector<512x64xf32>
      %slice3A_69 = vector.extract_strided_slice %add3A_63 {offsets = [0, 64], sizes = [512, 64], strides = [1, 1]} : vector<512x256xf32> to vector<512x64xf32>
      %logistic3A_70 = arith.negf %slice3A_69 : vector<512x64xf32>
      %logistic3A_71 = math.exp %logistic3A_70 : vector<512x64xf32>
      %logistic3A_72 = arith.constant 1.000000e+00 : f32
      %logistic3A_73 = vector.broadcast %logistic3A_72 : f32 to vector<512x64xf32>
      %logistic3A_74 = arith.addf %logistic3A_73, %logistic3A_71 : vector<512x64xf32>
      %logistic3A_75 = arith.divf %logistic3A_73, %logistic3A_74 : vector<512x64xf32>
      %slice3A_76 = vector.extract_strided_slice %add3A_63 {offsets = [0, 128], sizes = [512, 64], strides = [1, 1]} : vector<512x256xf32> to vector<512x64xf32>
      %tanh3A = math.tanh %slice3A_76 : vector<512x64xf32>
      %slice3A_77 = vector.extract_strided_slice %add3A_63 {offsets = [0, 192], sizes = [512, 64], strides = [1, 1]} : vector<512x256xf32> to vector<512x64xf32>
      %logistic3A_78 = arith.negf %slice3A_77 : vector<512x64xf32>
      %logistic3A_79 = math.exp %logistic3A_78 : vector<512x64xf32>
      %logistic3A_80 = arith.constant 1.000000e+00 : f32
      %logistic3A_81 = vector.broadcast %logistic3A_80 : f32 to vector<512x64xf32>
      %logistic3A_82 = arith.addf %logistic3A_81, %logistic3A_79 : vector<512x64xf32>
      %logistic3A_83 = arith.divf %logistic3A_81, %logistic3A_82 : vector<512x64xf32>
      %mul3A = arith.mulf %logistic3A_75, %scan3A_36 : vector<512x64xf32>
      %mul3A_84 = arith.mulf %logistic3A_68, %tanh3A : vector<512x64xf32>
      %add3A_85 = arith.addf %mul3A, %mul3A_84 : vector<512x64xf32>
      %tanh3A_86 = math.tanh %add3A_85 : vector<512x64xf32>
      %mul3A_87 = arith.mulf %logistic3A_83, %tanh3A_86 : vector<512x64xf32>
      %broadcast_in_dim3A_88 = arith.constant -1.000000e+30 : f32
      %broadcast_in_dim3A_89 = vector.broadcast %broadcast_in_dim3A_88 : f32 to vector<1x512xf32>
      %scan3A_90 = arith.constant 0 : i32
      %scan3A_91 = arith.constant 5 : i32
      %scan3A_92 = arith.addi %scan3A_90, %scan3A_91 : i32
      %scan3A_93 = arith.constant 1 : i32
      %scan3A_94 = scf.for %scan3A_110 = %scan3A_90 to %scan3A_92 step %scan3A_93 iter_args(%scan3A_111 = %broadcast_in_dim3A_89) -> (vector<1x512xf32>)  : i32 {
        %mul3A_112 = arith.constant 2000 : i32
        %mul3A_113 = arith.muli %scan3A_110, %mul3A_112 : i32
        %get3A_114 = arith.index_cast %mul3A_113 : i32 to index
        %get3A_115 = arith.constant 0 : index
        %get3A_116 = vector.load %arg1[%get3A_114, %get3A_115] : memref<10000x1xi32, #tpu.memory_space<vmem>>, vector<2000x1xi32>
        %eq3A = vector.broadcast %get3A_116 : vector<2000x1xi32> to vector<2000x512xi32>
        %eq3A_117 = arith.cmpi eq, %eq3A, %iota3A : vector<2000x512xi32>
        %convert_element_type3A = arith.extui %eq3A_117 : vector<2000x512xi1> to vector<2000x512xi32>
        %convert_element_type3A_118 = arith.sitofp %convert_element_type3A : vector<2000x512xi32> to vector<2000x512xf32>
        %dot_general3A_119 = arith.constant dense<0.000000e+00> : vector<2000x64xf32>
        %dot_general3A_120 = tpu.matmul %convert_element_type3A_118, %mul3A_87, %dot_general3A_119 {dimension_numbers = #tpu.dot_dimension_numbers<[1], [0], [0], [1], [0, 0, 1, 1], [], []>, transpose_lhs_hint = false} : vector<2000x512xf32>, vector<512x64xf32>, vector<2000x64xf32> -> vector<2000x64xf32>
        %get3A_121 = arith.index_cast %mul3A_113 : i32 to index
        %get3A_122 = arith.constant 0 : index
        %get3A_123 = vector.load %arg0[%get3A_121, %get3A_122] : memref<10000x64xf32, #tpu.memory_space<vmem>>, vector<2000x64xf32>
        %mul3A_124 = arith.mulf %get3A_123, %dot_general3A_120 : vector<2000x64xf32>
        %reduce_sum3A = arith.constant dense<0.000000e+00> : vector<2000xf32>
        %reduce_sum3A_125 = vector.multi_reduction <add>, %mul3A_124, %reduce_sum3A [1] : vector<2000x64xf32> to vector<2000xf32>
        %broadcast_in_dim3A_126 = vector.shape_cast %reduce_sum3A_125 : vector<2000xf32> to vector<2000x1xf32>
        %gt3A = arith.constant 0.000000e+00 : f32
        %gt3A_127 = vector.broadcast %gt3A : f32 to vector<2000x512xf32>
        %gt3A_128 = arith.cmpf ogt, %convert_element_type3A_118, %gt3A_127 : vector<2000x512xf32>
        %jit3A = arith.constant -1.000000e+30 : f32
        %broadcast_in_dim3A_129 = vector.shape_cast %broadcast_in_dim3A_126 : vector<2000x1xf32> to vector<2000x1xf32>
        %broadcast_in_dim3A_130 = vector.broadcast %broadcast_in_dim3A_129 : vector<2000x1xf32> to vector<2000x512xf32>
        %broadcast_in_dim3A_131 = vector.broadcast %jit3A : f32 to vector<2000x512xf32>
        %select_n3A = arith.select %gt3A_128, %broadcast_in_dim3A_130, %broadcast_in_dim3A_131 : vector<2000x512xi1>, vector<2000x512xf32>
        %reduce_max3A = arith.constant dense<0xFF800000> : vector<512xf32>
        %reduce_max3A_132 = vector.multi_reduction <maximumf>, %select_n3A, %reduce_max3A [0] : vector<2000x512xf32> to vector<512xf32>
        %broadcast_in_dim3A_133 = vector.shape_cast %reduce_max3A_132 : vector<512xf32> to vector<1x512xf32>
        %max3A_134 = arith.maximumf %scan3A_111, %broadcast_in_dim3A_133 : vector<1x512xf32>
        scf.yield %max3A_134 : vector<1x512xf32>
      }
      %scan3A_95 = arith.constant 5 : i32
      %broadcast_in_dim3A_96 = arith.constant 0.000000e+00 : f32
      %broadcast_in_dim3A_97 = vector.broadcast %broadcast_in_dim3A_96 : f32 to vector<512x1xf32>
      %broadcast_in_dim3A_98 = arith.constant 0.000000e+00 : f32
      %broadcast_in_dim3A_99 = vector.broadcast %broadcast_in_dim3A_98 : f32 to vector<512x64xf32>
      %scan3A_100 = arith.constant 0 : i32
      %scan3A_101 = arith.constant 5 : i32
      %scan3A_102 = arith.addi %scan3A_100, %scan3A_101 : i32
      %scan3A_103 = arith.constant 1 : i32
      %scan3A_104:2 = scf.for %scan3A_110 = %scan3A_100 to %scan3A_102 step %scan3A_103 iter_args(%scan3A_111 = %broadcast_in_dim3A_97, %scan3A_112 = %broadcast_in_dim3A_99) -> (vector<512x1xf32>, vector<512x64xf32>)  : i32 {
        %mul3A_113 = arith.constant 2000 : i32
        %mul3A_114 = arith.muli %scan3A_110, %mul3A_113 : i32
        %get3A_115 = arith.index_cast %mul3A_114 : i32 to index
        %get3A_116 = arith.constant 0 : index
        %get3A_117 = vector.load %arg1[%get3A_115, %get3A_116] : memref<10000x1xi32, #tpu.memory_space<vmem>>, vector<2000x1xi32>
        %eq3A = vector.broadcast %get3A_117 : vector<2000x1xi32> to vector<2000x512xi32>
        %eq3A_118 = arith.cmpi eq, %eq3A, %iota3A : vector<2000x512xi32>
        %convert_element_type3A = arith.extui %eq3A_118 : vector<2000x512xi1> to vector<2000x512xi32>
        %convert_element_type3A_119 = arith.sitofp %convert_element_type3A : vector<2000x512xi32> to vector<2000x512xf32>
        %dot_general3A_120 = arith.constant dense<0.000000e+00> : vector<2000x64xf32>
        %dot_general3A_121 = tpu.matmul %convert_element_type3A_119, %mul3A_87, %dot_general3A_120 {dimension_numbers = #tpu.dot_dimension_numbers<[1], [0], [0], [1], [0, 0, 1, 1], [], []>, transpose_lhs_hint = false} : vector<2000x512xf32>, vector<512x64xf32>, vector<2000x64xf32> -> vector<2000x64xf32>
        %get3A_122 = arith.index_cast %mul3A_114 : i32 to index
        %get3A_123 = arith.constant 0 : index
        %get3A_124 = vector.load %arg0[%get3A_122, %get3A_123] : memref<10000x64xf32, #tpu.memory_space<vmem>>, vector<2000x64xf32>
        %mul3A_125 = arith.mulf %get3A_124, %dot_general3A_121 : vector<2000x64xf32>
        %reduce_sum3A = arith.constant dense<0.000000e+00> : vector<2000xf32>
        %reduce_sum3A_126 = vector.multi_reduction <add>, %mul3A_125, %reduce_sum3A [1] : vector<2000x64xf32> to vector<2000xf32>
        %broadcast_in_dim3A_127 = vector.shape_cast %reduce_sum3A_126 : vector<2000xf32> to vector<2000x1xf32>
        %mul3A_128 = vector.broadcast %scan3A_94 : vector<1x512xf32> to vector<2000x512xf32>
        %mul3A_129 = arith.mulf %convert_element_type3A_119, %mul3A_128 : vector<2000x512xf32>
        %reduce_sum3A_130 = arith.constant dense<0.000000e+00> : vector<2000xf32>
        %reduce_sum3A_131 = vector.multi_reduction <add>, %mul3A_129, %reduce_sum3A_130 [1] : vector<2000x512xf32> to vector<2000xf32>
        %broadcast_in_dim3A_132 = vector.shape_cast %reduce_sum3A_131 : vector<2000xf32> to vector<2000x1xf32>
        %sub3A = arith.subf %broadcast_in_dim3A_127, %broadcast_in_dim3A_132 : vector<2000x1xf32>
        %exp3A = math.exp %sub3A : vector<2000x1xf32>
        %dot_general3A_133 = arith.constant dense<0.000000e+00> : vector<512x1xf32>
        %dot_general3A_134 = tpu.matmul %convert_element_type3A_119, %exp3A, %dot_general3A_133 {dimension_numbers = #tpu.dot_dimension_numbers<[0], [0], [1], [1], [0, 1, 1, 1], [], []>, transpose_lhs_hint = false} : vector<2000x512xf32>, vector<2000x1xf32>, vector<512x1xf32> -> vector<512x1xf32>
        %add3A_135 = arith.addf %scan3A_111, %dot_general3A_134 : vector<512x1xf32>
        %mul3A_136 = vector.broadcast %exp3A : vector<2000x1xf32> to vector<2000x512xf32>
        %mul3A_137 = arith.mulf %convert_element_type3A_119, %mul3A_136 : vector<2000x512xf32>
        %get3A_138 = arith.index_cast %mul3A_114 : i32 to index
        %get3A_139 = arith.constant 0 : index
        %get3A_140 = vector.load %arg0[%get3A_138, %get3A_139] : memref<10000x64xf32, #tpu.memory_space<vmem>>, vector<2000x64xf32>
        %dot_general3A_141 = arith.constant dense<0.000000e+00> : vector<512x64xf32>
        %dot_general3A_142 = tpu.matmul %mul3A_137, %get3A_140, %dot_general3A_141 {dimension_numbers = #tpu.dot_dimension_numbers<[0], [0], [1], [1], [0, 1, 1, 1], [], []>, transpose_lhs_hint = false} : vector<2000x512xf32>, vector<2000x64xf32>, vector<512x64xf32> -> vector<512x64xf32>
        %add3A_143 = arith.addf %scan3A_112, %dot_general3A_142 : vector<512x64xf32>
        scf.yield %add3A_135, %add3A_143 : vector<512x1xf32>, vector<512x64xf32>
      }
      %scan3A_105 = arith.constant 5 : i32
      %max3A_106 = arith.constant 1.000000e-30 : f32
      %max3A_107 = vector.broadcast %max3A_106 : f32 to vector<512x1xf32>
      %max3A_108 = arith.maximumf %scan3A_104#0, %max3A_107 : vector<512x1xf32>
      %div3A = vector.broadcast %max3A_108 : vector<512x1xf32> to vector<512x64xf32>
      %div3A_109 = arith.divf %scan3A_104#1, %div3A : vector<512x64xf32>
      scf.yield %mul3A_87, %div3A_109, %mul3A_87, %add3A_85 : vector<512x64xf32>, vector<512x64xf32>, vector<512x64xf32>, vector<512x64xf32>
    }
    %get3A = arith.constant 0 : index
    %get3A_5 = arith.constant 0 : index
    %get3A_6 = vector.load %arg7[%get3A, %get3A_5] : memref<64x64xf32, #tpu.memory_space<vmem>>, vector<64x64xf32>
    %dot_general3A = arith.constant dense<0.000000e+00> : vector<512x64xf32>
    %dot_general3A_7 = tpu.matmul %scan3A_4#0, %get3A_6, %dot_general3A {dimension_numbers = #tpu.dot_dimension_numbers<[1], [0], [0], [1], [0, 0, 1, 1], [], []>, transpose_lhs_hint = false} : vector<512x64xf32>, vector<64x64xf32>, vector<512x64xf32> -> vector<512x64xf32>
    %get3A_8 = arith.constant 0 : index
    %get3A_9 = arith.constant 0 : index
    %get3A_10 = vector.load %arg8[%get3A_8, %get3A_9] : memref<64x64xf32, #tpu.memory_space<vmem>>, vector<64x64xf32>
    %dot_general3A_11 = arith.constant dense<0.000000e+00> : vector<512x64xf32>
    %dot_general3A_12 = tpu.matmul %scan3A_4#1, %get3A_10, %dot_general3A_11 {dimension_numbers = #tpu.dot_dimension_numbers<[1], [0], [0], [1], [0, 0, 1, 1], [], []>, transpose_lhs_hint = false} : vector<512x64xf32>, vector<64x64xf32>, vector<512x64xf32> -> vector<512x64xf32>
    %add3A = arith.addf %dot_general3A_7, %dot_general3A_12 : vector<512x64xf32>
    %get3A_13 = arith.constant 0 : index
    %get3A_14 = arith.constant 0 : index
    %get3A_15 = vector.load %arg9[%get3A_13, %get3A_14] : memref<1x64xf32, #tpu.memory_space<vmem>>, vector<1x64xf32>
    %add3A_16 = vector.broadcast %get3A_15 : vector<1x64xf32> to vector<512x64xf32>
    %add3A_17 = arith.addf %add3A, %add3A_16 : vector<512x64xf32>
    %max3A = arith.constant 0.000000e+00 : f32
    %max3A_18 = vector.broadcast %max3A : f32 to vector<512x64xf32>
    %max3A_19 = arith.maximumf %add3A_17, %max3A_18 : vector<512x64xf32>
    %get3A_20 = arith.constant 0 : index
    %get3A_21 = arith.constant 0 : index
    %get3A_22 = vector.load %arg10[%get3A_20, %get3A_21] : memref<64x12xf32, #tpu.memory_space<vmem>>, vector<64x12xf32>
    %dot_general3A_23 = arith.constant dense<0.000000e+00> : vector<512x12xf32>
    %dot_general3A_24 = tpu.matmul %max3A_19, %get3A_22, %dot_general3A_23 {dimension_numbers = #tpu.dot_dimension_numbers<[1], [0], [0], [1], [0, 0, 1, 1], [], []>, transpose_lhs_hint = false} : vector<512x64xf32>, vector<64x12xf32>, vector<512x12xf32> -> vector<512x12xf32>
    %get3A_25 = arith.constant 0 : index
    %get3A_26 = arith.constant 0 : index
    %get3A_27 = vector.load %arg11[%get3A_25, %get3A_26] : memref<1x12xf32, #tpu.memory_space<vmem>>, vector<1x12xf32>
    %add3A_28 = vector.broadcast %get3A_27 : vector<1x12xf32> to vector<512x12xf32>
    %add3A_29 = arith.addf %dot_general3A_24, %add3A_28 : vector<512x12xf32>
    %swap3A = arith.constant 0 : index
    %swap3A_30 = arith.constant 0 : index
    %swap3A_31 = vector.load %arg12[%swap3A, %swap3A_30] : memref<512x12xf32, #tpu.memory_space<vmem>>, vector<512x12xf32>
    tpu.vector_store %arg12[%swap3A, %swap3A_30], %add3A_29 {strides = array<i32>} : memref<512x12xf32, #tpu.memory_space<vmem>>, vector<512x12xf32>,
    return
  }
}

</mosaic_0001>

<sc_bundles>
// kernel: closed_call.19.cloned.1.call-start
scs
__scs_entry_jumppad:
0x0: {  	(pc) =	sbr.rel $0x88, $3  }
0x1: {  	(tag) =	ssettag $0x0;
	lr =	simm.s32 $0x1  }
0x2: {  	[smem:$0x3F8A] =	sst lr;
	_ =	strace $0xD0000000  }
0x3: {  	_ = 	snop  }
0x4: {  	_ = 	snop  }
0x5: {  	_ = 	snop  }
0x6: {  	_ = 	snop  }
0x7: {  	_ = 	snop  }
__scs_overlays_trampoline_lowered:
0x8: {  	[smem:$0x3F99] =	sst s0  }
0x9: {  	[smem:$0x3F9A] =	sst s1  }
0xa: {  	[smem:$0x3F9B] =	sst s2  }
0xb: {  	[smem:$0x3F9C] =	sst s3  }
0xc: {  	[smem:$0x3F9D] =	sst s4  }
0xd: {  	[smem:$0x3F9E] =	sst s5  }
0xe: {  	[smem:$0x3F9F] =	sst s6  }
0xf: {  	[smem:$0x3FA0] =	sst s7  }
0x10: {  	[smem:$0x3FA1] =	sst s8  }
0x11: {  	[smem:$0x3FA2] =	sst s9;
	s0 =	simm.s32 @!p0 $0x0  }
0x12: {  	s1 =	sld [smem:$0x3F88];
	s0 =	simm.s32 @p0 $0x1  }
0x13: {  	[smem:$0x3FA3] =	sst s0;
	s0 =	simm.s32 @!p1 $0x0  }
0x14: {  	s2 =	sld [smem:$0x3F87];
	s0 =	simm.s32 @p1 $0x1  }
0x15: {  	[smem:$0x3FA4] =	sst s0;
	s0 =	simm.s32 @!p2 $0x0  }
0x16: {  	s3 =	sld [smem:$0x3FDB];
	s0 =	simm.s32 @p2 $0x1  }
0x17: {  	s4 =	simm.s32 $0x1BF5;
	[smem:$0x3FA6] =	sst s0  }
0x18: {  	s0 =	sld [smem:$0x3F89];
	_ =	swait.ge [sflag:s4], $0x0  }
0x19: {  	s7 =	sld [smem:$0x3F8A]  }
0x1a: {  	s8 =	sadd.s32 $0xFFFFE003, lr  }
0x1b: {  	s9 =	sadd.s32 $0xFFFFFEF7, lr;
	s5 =	simm.s32 $0xFFFFFFFF;
	p2 =	slt.u32 s8, $0xFFFFF086  }
0x1c: {  	p1 =	slt.u32 s9, $0xF7A;
	s5 =	simm.s32 @!p2 $0x0  }
0x1d: {  	s5 =	simm.s32 @p1 $0x1;
	p0 =	seq.s32 s7, s2  }
0x1e: {  	s7 =	smul.u32 @!p0 $0xF7A, s2;
	p2 =	seq.s32 @!p0 s5, $0x0  }
0x1f: {  	s9 =	smul.u32 $0xF7A, s1;
	s8 =	simm.s32 @!p0 $0x1BF5;
	p2 =	por !p2, p0  }
0x20: {  	[sflag:s8] =	ssyncset.s32 @!p0 $0xFFFFF086;
	s6 =	sadd.s32 @!p0 s3, s7;
	s7 =	simm.s32 @!p0 $0x108  }
0x21: {  	s3 =	sadd.s32 s3, s9;
	s6 =	sadd.s32 @!p0 $0x88, s6;
	s7 =	simm.s32 @p2 $0x1082  }
0x22: {  	[simem:s7], [sflag:s8] =	dma.local @!p0 [hbm:s6], $0xF7A  }
0x23: {  	s9 =	sor.u32 $0xD0000000, s2;
	s6 =	simm.s32 $0x108;
	_ =	swait.ge @!p0 [sflag:s8], $0x0  }
0x24: {  	s3 =	sadd.s32 $0x88, s3;
	s6 =	simm.s32 @!p1 $0x1082;
	[sflag:s4] =	ssyncset.s32 $0xFFFFF086  }
0x25: {  	[simem:s6], [sflag:s4] =	dma.local [hbm:s3], $0xF7A  }
0x26: {  	[smem:$0x3F8A] =	sst s1;
	(tag) =	ssettag s2;
	_ =	strace s9  }
0x27: {  	s1 =	sld [smem:$0x3F9A]  }
0x28: {  	s2 =	sld [smem:$0x3F9B]  }
0x29: {  	s4 =	sld [smem:$0x3F9D]  }
0x2a: {  	p0 =	seq.s32 s5, $0x0;
	s5 =	sld [smem:$0x3F9E]  }
0x2b: {  	s6 =	sld [smem:$0x3F9F]  }
0x2c: {  	s7 =	sld [smem:$0x3FA0]  }
0x2d: {  	s3 =	simm.s32 $0x108;
	s8 =	sld [smem:$0x3FA1]  }
0x2e: {  	s3 =	simm.s32 @!p0 $0x1082;
	s9 =	sld [smem:$0x3FA2]  }
0x2f: {  	lr =	sadd.s32 s0, s3;
	s0 =	sld [smem:$0x3F99]  }
0x30: {  	s3 =	sld [smem:$0x3F9C]  }
0x31: {  	[smem:$0x3FA5] =	sst s10  }
0x32: {  	s10 =	sld [smem:$0x3FA3];
	_ =	sdelay $0x3  }
0x33: {  	p0 =	seq.s32 s10, $0x1;
	s10 =	sld [smem:$0x3FA5];
	_ =	sdelay $0x3  }
0x34: {  	[smem:$0x3FA5] =	sst s10  }
0x35: {  	s10 =	sld [smem:$0x3FA4];
	_ =	sdelay $0x3  }
0x36: {  	p1 =	seq.s32 s10, $0x1;
	s10 =	sld [smem:$0x3FA5];
	_ =	sdelay $0x3  }
0x37: {  	[smem:$0x3FA5] =	sst s10  }
0x38: {  	s10 =	sld [smem:$0x3FA6]  }
0x39: {  	_ = 	snop;
	(pc) =	sbr.ind lr, $3  }
0x3a: {  	_ = 	snop  }
0x3b: {  	_ = 	snop  }
0x3c: {  	p2 =	seq.s32 s10, $0x1;
	s10 =	sld [smem:$0x3FA5]  }
0x3d: {  	_ =	shalt  }
0x3e: {  	_ =	shalt  }
0x3f: {  	_ =	shalt  }
0x40: {  	_ =	shalt  }
0x41: {  	_ =	shalt  }
0x42: {  	_ =	shalt  }
0x43: {  	_ =	shalt  }
0x44: {  	_ =	shalt  }
0x45: {  	_ =	shalt  }
0x46: {  	_ =	shalt  }
0x47: {  	_ =	shalt  }
0x48: {  	_ =	shalt  }
0x49: {  	_ =	shalt  }
0x4a: {  	_ =	shalt  }
0x4b: {  	_ =	shalt  }
0x4c: {  	_ =	shalt  }
0x4d: {  	_ =	shalt  }
0x4e: {  	_ =	shalt  }
0x4f: {  	_ =	shalt  }
0x50: {  	_ =	shalt  }
0x51: {  	_ =	shalt  }
0x52: {  	_ =	shalt  }
0x53: {  	_ =	shalt  }
0x54: {  	_ =	shalt  }
0x55: {  	_ =	shalt  }
0x56: {  	_ =	shalt  }
0x57: {  	_ =	shalt  }
0x58: {  	_ =	shalt  }
0x59: {  	_ =	shalt  }
0x5a: {  	_ =	shalt  }
0x5b: {  	_ =	shalt  }
0x5c: {  	_ =	shalt  }
0x5d: {  	_ =	shalt  }
0x5e: {  	_ =	shalt  }
0x5f: {  	_ =	shalt  }
0x60: {  	_ =	shalt  }
0x61: {  	_ =	shalt  }
0x62: {  	_ =	shalt  }
0x63: {  	_ =	shalt  }
0x64: {  	_ =	shalt  }
0x65: {  	_ =	shalt  }
0x66: {  	_ =	shalt  }
0x67: {  	_ =	shalt  }
0x68: {  	_ =	shalt  }
0x69: {  	_ =	shalt  }
0x6a: {  	_ =	shalt  }
0x6b: {  	_ =	shalt  }
0x6c: {  	_ =	shalt  }
0x6d: {  	_ =	shalt  }
0x6e: {  	_ =	shalt  }
0x6f: {  	_ =	shalt  }
0x70: {  	_ =	shalt  }
0x71: {  	_ =	shalt  }
0x72: {  	_ =	shalt  }
0x73: {  	_ =	shalt  }
0x74: {  	_ =	shalt  }
0x75: {  	_ =	shalt  }
0x76: {  	_ =	shalt  }
0x77: {  	_ =	shalt  }
0x78: {  	_ =	shalt  }
0x79: {  	_ =	shalt  }
0x7a: {  	_ =	shalt  }
0x7b: {  	_ =	shalt  }
0x7c: {  	_ =	shalt  }
0x7d: {  	_ =	shalt  }
0x7e: {  	_ =	shalt  }
0x7f: {  	_ =	shalt  }
0x80: {  	_ =	shalt  }
0x81: {  	_ =	shalt  }
0x82: {  	_ =	shalt  }
0x83: {  	_ =	shalt  }
0x84: {  	_ =	shalt  }
0x85: {  	_ =	shalt  }
0x86: {  	_ =	shalt  }
0x87: {  	_ =	shalt  }
.Lfunc_end0:
.L_simem_size_0:
called_computation_lowered:
.L_overlay_start_0:
0x88: {  	s2 =	sld [smem:$0x3FD9]  }
0x89: {  	s3 =	sld [smem:$0x3FFE];
	_ =	sdelay $0x1  }
0x8a: {  	s1 =	srdreg.scid  }
0x8b: {  	s0 =	sand.u32 $0x1, s1  }
0x8c: {  	s16 =	sshll.u32 s0, $0xA;
	s2 =	sadd.s32 s3, s2  }
0x8d: {  	s2 =	sadd.s32 s2, s16  }
0x8e: {  	[smem:$0x3FB1] =	sst s2  }
0x8f: {  	_ = 	snop  }
0x90: {  	(tm) =	ssettm $0x1  }
0x91: {  	s17 =	sld [smem:$0x3FFB];
	_ =	sdelay $0x3  }
0x92: {  	_ =	strace s17  }
0x93: {  	s2 =	sld [smem:$0x3FFC];
	_ =	sdelay $0x3  }
0x94: {  	_ =	strace s2  }
0x95: {  	s2 =	sld [smem:$0x3FFD];
	_ =	sdelay $0x3  }
0x96: {  	_ =	strace s2  }
0x97: {  	_ =	strace $0x8FFFFFFF  }
0x98: {  	s18 =	sld [smem:$0x3FDB];
	_ =	sdelay $0x1  }
0x99: {  	s19 =	simm.s32 $_scs_section_size  }
0x9a: {  	s4 =	simm.s32 $_size__tile_overlayer_lowered;
	s5 =	simm.s32 $_tile_overlayer_lowered  }
0x9b: {  	s22 =	simm.s32 $0x1BFF;
	s21 =	sshll.u32 s5, $0x1;
	s2 =	sadd.s32 s19, s18  }
0x9c: {  	s6 =	simm.s32 $0x0;
	s20 =	sshll.u32 s4, $0x1;
	s4 =	sadd.s32 s21, s2  }
0x9d: {  	[timem:s6], [sflag:s22] =	dma.local [hbm:s4], s20  }
0x9e: {  	_ =	swait.ge [sflag:s22], s20  }
0x9f: {  	s3 =	ssub.s32 $0x0, s20;
	[sflag:s22] =	ssyncset.done $0x0  }
0xa0: {  	[sflag:s22] =	ssyncadd.s32 s3;
	_ =	sdelay $0x1  }
0xa1: {  	s23 =	simm.s32 $0x1B8B  }
0xa2: {  	_ =	swait.ge [sflag:s23], $0x1  }
0xa3: {  	[sflag:s23] =	ssyncset.done $0x0  }
0xa4: {  	s25 =	simm.s32 $0x1B8E;
	s24 =	sld [smem:$0x3FFE];
	[sflag:s23] =	ssyncadd.s32 $0xFFFFFFFF  }
0xa5: {  	s26 =	simm.s32 $execute0_lowered;
	[smem:$0x3FD2] =	sst s25  }
0xa6: {  	s4 =	sshll.u32 s26, $0x1;
	_ =	strace $0x80000049;
	[dreg:$0x1] =	wrdreg $0xFFFFFFFF  }
0xa7: {  	s28 =	simm.s32 $_size_execute0_lowered;
	s2 =	sadd.s32 s2, s4;
	[dreg:$0x0] =	wrdreg $0x0  }
0xa8: {  	s4 =	sshll.u32 s28, $0x1;
	[dreg:$0x2] =	wrdreg s2  }
0xa9: {  	[dreg:$0x3] =	wrdreg s4  }
0xaa: {  	[dreg:$0x4] =	wrdreg $0xC0  }
0xab: {  	_ =	task [dreg:s6], $0x5FFFF  }
0xac: {  	[dreg:$0x1] =	wrdreg $0xFFFFFFFF  }
0xad: {  	[dreg:$0x0] =	wrdreg $0x60  }
0xae: {  	[dreg:$0x2] =	wrdreg s24  }
0xaf: {  	[dreg:$0x3] =	wrdreg $0x9  }
0xb0: {  	_ =	task.clear_ibuf [dreg:s6], $0x4FFFF;
	_ =	strace $0x90000049  }
0xb1: {  	s29 =	simm.s32 $0x9;
	_ =	strace $0x8000004B  }
0xb2: {  	_ =	swait.ge [sflag:s29], $0x1  }
0xb3: {  	[sflag:s29] =	ssyncadd.s32 $0xFFFFFFFF  }
0xb4: {  	_ =	strace $0x9000004B  }
0xb5: {  	_ =	sfence  }
0xb6: {  	s30 =	sld [smem:$0x0];
	_ =	sdelay $0x2  }
0xb7: {  	s31 =	sshll.u32 s1, $0xD;
	s1 =	sshrl.u32 s1, $0x2  }
0xb8: {  	s3 =	sand.u32 $0x4000, s31;
	s1 =	sadd.s32 s1, s30  }
0xb9: {  	s0 =	sor.u32 s3, s0;
	s1 =	sshll.u32 s1, $0x11  }
0xba: {  	s0 =	sor.u32 s1, s0  }
0xbb: {  	s0 =	sadd.s32 $0x8F2B, s0  }
0xbc: {  	[sflag:s0] =	ssyncadd.remote.s32 $0x1  }
0xbd: {  	_ =	sfence.sel $0xFFFF  }
0xbe: {  	[dreg:$0x0] =	wrdreg $0xFFFFFFFF;
	(pc) =	sbr.abs _section_cstart, $3  }
0xbf: {  	[dreg:$0x1] =	wrdreg $0xFFFFFFFF  }
0xc0: {  	_ =	task.clear_ibuf [dreg:s6], $0x2FFFF;
	_ =	strace $0x9FFFFFFF  }
0xc1: {  	(tm) =	ssettm $0x7FFFFFFF  }
tec
execute0_lowered:
.L_overlay_start_1:
0x0: {  	(tag) =	ssettag $0x1  }
0x1: {  	s4 =	rddreg [dreg:$0x0];
	s2 =	srdreg.scid  }
0x2: {  	s0 =	rddreg [dreg:$0x1];
	s1 =	stileid.u32  }
0x3: {  	s7 =	sand.u32 $0x1, s2;
	s2 =	simm.s32 $0x0;
	s3 =	sshll.u32 s1, $0x5  }
0x4: {  	s8 =	sshll.u32 s1, $0xC;
	s31 =	sshll.u32 s1, $0x1;
	s5 =	sshll.u32 s7, $0x4  }
0x5: {  	[smem:$0x7FF] =	sst s2;
	s9 =	ssub.s32 $0x2, s7;
	s8 =	sadd.s32 s8, s4  }
0x6: {  	s30 =	sshll.u32 s7, $0xB;
	s7 =	sor.u32 s7, s31;
	s5 =	sor.u32 s5, s3  }
0x7: {  	_ =	strace $0x8000004A;
	s3 =	sadd.s32 $0x322000, s4;
	s6 =	sand.u32 $0x180, s5  }
0x8: {  	s29 =	sshrl.u32 s9, $0x1;
	s5 =	sand.u32 $0x70, s5;
	s6 =	sadd.s32 s6, s4  }
0x9: {  	s4 =	ssub.s32 s9, s29;
	s5 =	sadd.s32 s5, s6;
	s6 =	sadd.s32 s30, s8  }
0xa: {  	s4 =	smax.u32 s4, $0x1;
	s5 =	sadd.s32 $0xB800, s5;
	s6 =	sadd.s32 $0x10800, s6  }
.LBB2_1:
0xb: {  	s8 =	sadd.s32 $0x0, s7  }
0xc: {  	p0 =	sgt.u32 s8, $0x4E1  }
0xd: {  	s8 =	simm.s32 @!p0 $0x0;
	s9 =	simm.s32 @!p0 $0x3  }
0xe: {  	[tilespmem:s8], [sflag:$0x3] =	stream.linear.gather @!p0 [hbm4b:s5+s8], $0x80, $0x38;
	[tilespmem:$0x4080] =	vst v63  }
0xf: {  	_ =	swait.ge @!p0 [sflag:s9], $0x80  }
0x10: {  	[sflag:s9] =	ssyncset.done @!p0 $0x0;
	p0 =	por p0, p0  }
0x11: {  	[sflag:s9] =	ssyncadd.s32 @!p0 $0xFFFFFF80;
	s10 =	simm.s32 @!p0 $0x80;
	s11 =	simm.s32 @!p0 $0x1  }
0x12: {  	[tilespmem:s10], [sflag:$0x1] =	stream.indirect.gather @!p0 [hbm4b:s3+s10], $0x80, s8, s10, $0xb8;
	[tilespmem:$0x4080] =	vst v63  }
0x13: {  	_ =	swait.ge @!p0 [sflag:s11], $0x4000  }
0x14: {  	[sflag:s11] =	ssyncset.done @!p0 $0x0  }
0x15: {  	s31 =	sadd.s32 $0x20, s7;
	[sflag:s11] =	ssyncadd.s32 @!p0 $0xFFFFC000;
	s11 =	simm.s32 @!p0 $0x2  }
0x16: {  	[hbm4b:s6+s8] =	stream.linear.scatter @!p0 [tilespmem:s10], [sflag:$0x2], $0x4000, $0x38;
	[tilespmem:$0x4080] =	vst v63  }
0x17: {  	p1 =	sgt.u32 s31, $0x4E1;
	s9 =	simm.s32 $0x40;
	_ =	swait.ge @!p0 [sflag:s11], $0x4000  }
0x18: {  	s8 =	sadd.s32 $0x10000, s6;
	s10 =	sadd.s32 $0x200, s5;
	[sflag:s11] =	ssyncset.done @!p0 $0x0  }
.LBB2_2:
0x19: {  	s12 =	simm.s32 @!p1 $0x0;
	s13 =	simm.s32 @!p1 $0x3;
	[sflag:s11] =	ssyncadd.s32 @!p0 $0xFFFFC000  }
0x1a: {  	[tilespmem:s12], [sflag:$0x3] =	stream.linear.gather @!p1 [hbm4b:s10+s12], $0x80, $0x38;
	[tilespmem:$0x4080] =	vst v63  }
0x1b: {  	s14 =	smov.u32 s9;
	s9 =	sadd.s32 $0x20, s9;
	_ =	swait.ge @!p1 [sflag:s13], $0x80  }
0x1c: {  	p0 =	por p1, p1;
	p2 =	sne.s32 s9, $0x500;
	[sflag:s13] =	ssyncset.done @!p1 $0x0  }
0x1d: {  	s11 =	simm.s32 @!p0 $0x1;
	[sflag:s13] =	ssyncadd.s32 @!p0 $0xFFFFFF80;
	s13 =	simm.s32 @!p0 $0x80  }
0x1e: {  	[tilespmem:s13], [sflag:$0x1] =	stream.indirect.gather @!p0 [hbm4b:s3+s13], $0x80, s12, s13, $0xb8;
	[tilespmem:$0x4080] =	vst v63  }
0x1f: {  	_ =	swait.ge @!p0 [sflag:s11], $0x4000  }
.Ltmp0:
0x20: {  	[sflag:s11] =	ssyncset.done @!p0 $0x0;
	(pc) =	sbr.rel @p2 .LBB2_2-.Ltmp0, $4  }
0x21: {  	[sflag:s11] =	ssyncadd.s32 @!p0 $0xFFFFC000;
	s11 =	simm.s32 @!p0 $0x2  }
0x22: {  	[hbm4b:s8+s12] =	stream.linear.scatter @!p0 [tilespmem:s13], [sflag:$0x2], $0x4000, $0x38;
	[tilespmem:$0x4080] =	vst v63  }
0x23: {  	s12 =	sadd.s32 s14, s7;
	s8 =	sadd.s32 $0x10000, s8;
	_ =	swait.ge @!p0 [sflag:s11], $0x4000  }
0x24: {  	s10 =	sadd.s32 $0x200, s10;
	p1 =	sgt.u32 s12, $0x4E1;
	[sflag:s11] =	ssyncset.done @!p0 $0x0  }
0x25: {  	s9 =	simm.s32 @!p1 $0x0;
	s12 =	simm.s32 @!p1 $0x3;
	[sflag:s11] =	ssyncadd.s32 @!p0 $0xFFFFC000  }
0x26: {  	[tilespmem:s9], [sflag:$0x3] =	stream.linear.gather @!p1 [hbm4b:s10+s9], $0x80, $0x38;
	[tilespmem:$0x4080] =	vst v63  }
0x27: {  	_ =	swait.ge @!p1 [sflag:s12], $0x80  }
0x28: {  	p0 =	por p1, p1;
	[sflag:s12] =	ssyncset.done @!p1 $0x0  }
0x29: {  	s10 =	simm.s32 @!p0 $0x80;
	s11 =	simm.s32 @!p0 $0x1;
	[sflag:s12] =	ssyncadd.s32 @!p0 $0xFFFFFF80  }
0x2a: {  	[tilespmem:s10], [sflag:$0x1] =	stream.indirect.gather @!p0 [hbm4b:s3+s10], $0x80, s9, s10, $0xb8;
	[tilespmem:$0x4080] =	vst v63  }
0x2b: {  	s2 =	sadd.s32 $0x1, s2;
	_ =	swait.ge @!p0 [sflag:s11], $0x4000  }
0x2c: {  	p1 =	sne.s32 s2, s4;
	[sflag:s11] =	ssyncset.done @!p0 $0x0  }
.Ltmp1:
0x2d: {  	[sflag:s11] =	ssyncadd.s32 @!p0 $0xFFFFC000;
	s11 =	simm.s32 @!p0 $0x2;
	(pc) =	sbr.rel @p1 .LBB2_1-.Ltmp1, $4  }
0x2e: {  	[hbm4b:s8+s9] =	stream.linear.scatter @!p0 [tilespmem:s10], [sflag:$0x2], $0x4000, $0x38;
	[tilespmem:$0x4080] =	vst v63  }
0x2f: {  	_ =	swait.ge @!p0 [sflag:s11], $0x4000  }
0x30: {  	[sflag:s11] =	ssyncset.done @!p0 $0x0  }
0x31: {  	[sflag:s11] =	ssyncadd.s32 @!p0 $0xFFFFC000  }
0x32: {  	_ =	sfence.sel $0x180000  }
0x33: {  	[bflag:$0x0] =	sbarrier.arrive $0xFFFF  }
0x34: {  	p0 =	sne.s32 s1, $0x0;
	_ =	strace $0x9000004A  }
0x35: {  	s0 =	sadd.s32 @!p0 $0x100000, s0;
	[bflag:$0x2] =	sbarrier.arrive $0xFFFF  }
0x36: {  	[sflag:s0] =	ssyncadd.tile.s32 @!p0 $0x1;
	_ =	shalt  }
.Lfunc_end2:
_tile_overlayer_lowered:
.L_overlay_start_2:
0x37: {  	(tag) =	ssettag $0x2  }
0x38: {  	s0 =	rddreg [dreg:$0x0];
	s2 =	stileid.u32  }
0x39: {  	s1 =	rddreg [dreg:$0x1];
	p0 =	sne.s32 s2, $0x0  }
0x3a: {  	s3 =	rddreg [dreg:$0x2];
	[bflag:$0x3] =	sbarrier.arrive $0xFFFF;
	s2 =	simm.s32 @!p0 $0x1C02  }
0x3b: {  	[timem:s3], [sflag:s2] =	dma.local @!p0 [hbm:s0], s1  }
0x3c: {  	s0 =	simm.s32 @!p0 $0x2  }
0x3d: {  	_ =	swait.ge @!p0 [sflag:s0], s1  }
0x3e: {  	s1 =	ssub.s32 @!p0 $0x0, s1;
	[sflag:s0] =	ssyncset.done @!p0 $0x0  }
0x3f: {  	[sflag:s0] =	ssyncadd.s32 @!p0 s1  }
0x40: {  	[bflag:$0x3] =	sbarrier.arrive $0xFFFF  }
0x41: {  	_ =	shalt  }

// kernel: closed_call.22.cloned.1.call-start
scs
__scs_entry_jumppad:
0x0: {  	(pc) =	sbr.rel $0x88, $3  }
0x1: {  	(tag) =	ssettag $0x0;
	lr =	simm.s32 $0x1  }
0x2: {  	[smem:$0x3F8A] =	sst lr;
	_ =	strace $0xD0000000  }
0x3: {  	_ = 	snop  }
0x4: {  	_ = 	snop  }
0x5: {  	_ = 	snop  }
0x6: {  	_ = 	snop  }
0x7: {  	_ = 	snop  }
__scs_overlays_trampoline_lowered:
0x8: {  	[smem:$0x3F99] =	sst s0  }
0x9: {  	[smem:$0x3F9A] =	sst s1  }
0xa: {  	[smem:$0x3F9B] =	sst s2  }
0xb: {  	[smem:$0x3F9C] =	sst s3  }
0xc: {  	[smem:$0x3F9D] =	sst s4  }
0xd: {  	[smem:$0x3F9E] =	sst s5  }
0xe: {  	[smem:$0x3F9F] =	sst s6  }
0xf: {  	[smem:$0x3FA0] =	sst s7  }
0x10: {  	[smem:$0x3FA1] =	sst s8  }
0x11: {  	[smem:$0x3FA2] =	sst s9;
	s0 =	simm.s32 @!p0 $0x0  }
0x12: {  	s1 =	sld [smem:$0x3F88];
	s0 =	simm.s32 @p0 $0x1  }
0x13: {  	[smem:$0x3FA3] =	sst s0;
	s0 =	simm.s32 @!p1 $0x0  }
0x14: {  	s2 =	sld [smem:$0x3F87];
	s0 =	simm.s32 @p1 $0x1  }
0x15: {  	[smem:$0x3FA4] =	sst s0;
	s0 =	simm.s32 @!p2 $0x0  }
0x16: {  	s3 =	sld [smem:$0x3FDB];
	s0 =	simm.s32 @p2 $0x1  }
0x17: {  	s4 =	simm.s32 $0x1BF5;
	[smem:$0x3FA6] =	sst s0  }
0x18: {  	s0 =	sld [smem:$0x3F89];
	_ =	swait.ge [sflag:s4], $0x0  }
0x19: {  	s7 =	sld [smem:$0x3F8A]  }
0x1a: {  	s8 =	sadd.s32 $0xFFFFE003, lr  }
0x1b: {  	s9 =	sadd.s32 $0xFFFFFEF7, lr;
	s5 =	simm.s32 $0xFFFFFFFF;
	p2 =	slt.u32 s8, $0xFFFFF086  }
0x1c: {  	p1 =	slt.u32 s9, $0xF7A;
	s5 =	simm.s32 @!p2 $0x0  }
0x1d: {  	s5 =	simm.s32 @p1 $0x1;
	p0 =	seq.s32 s7, s2  }
0x1e: {  	s7 =	smul.u32 @!p0 $0xF7A, s2;
	p2 =	seq.s32 @!p0 s5, $0x0  }
0x1f: {  	s9 =	smul.u32 $0xF7A, s1;
	s8 =	simm.s32 @!p0 $0x1BF5;
	p2 =	por !p2, p0  }
0x20: {  	[sflag:s8] =	ssyncset.s32 @!p0 $0xFFFFF086;
	s6 =	sadd.s32 @!p0 s3, s7;
	s7 =	simm.s32 @!p0 $0x108  }
0x21: {  	s3 =	sadd.s32 s3, s9;
	s6 =	sadd.s32 @!p0 $0x88, s6;
	s7 =	simm.s32 @p2 $0x1082  }
0x22: {  	[simem:s7], [sflag:s8] =	dma.local @!p0 [hbm:s6], $0xF7A  }
0x23: {  	s9 =	sor.u32 $0xD0000000, s2;
	s6 =	simm.s32 $0x108;
	_ =	swait.ge @!p0 [sflag:s8], $0x0  }
0x24: {  	s3 =	sadd.s32 $0x88, s3;
	s6 =	simm.s32 @!p1 $0x1082;
	[sflag:s4] =	ssyncset.s32 $0xFFFFF086  }
0x25: {  	[simem:s6], [sflag:s4] =	dma.local [hbm:s3], $0xF7A  }
0x26: {  	[smem:$0x3F8A] =	sst s1;
	(tag) =	ssettag s2;
	_ =	strace s9  }
0x27: {  	s1 =	sld [smem:$0x3F9A]  }
0x28: {  	s2 =	sld [smem:$0x3F9B]  }
0x29: {  	s4 =	sld [smem:$0x3F9D]  }
0x2a: {  	p0 =	seq.s32 s5, $0x0;
	s5 =	sld [smem:$0x3F9E]  }
0x2b: {  	s6 =	sld [smem:$0x3F9F]  }
0x2c: {  	s7 =	sld [smem:$0x3FA0]  }
0x2d: {  	s3 =	simm.s32 $0x108;
	s8 =	sld [smem:$0x3FA1]  }
0x2e: {  	s3 =	simm.s32 @!p0 $0x1082;
	s9 =	sld [smem:$0x3FA2]  }
0x2f: {  	lr =	sadd.s32 s0, s3;
	s0 =	sld [smem:$0x3F99]  }
0x30: {  	s3 =	sld [smem:$0x3F9C]  }
0x31: {  	[smem:$0x3FA5] =	sst s10  }
0x32: {  	s10 =	sld [smem:$0x3FA3];
	_ =	sdelay $0x3  }
0x33: {  	p0 =	seq.s32 s10, $0x1;
	s10 =	sld [smem:$0x3FA5];
	_ =	sdelay $0x3  }
0x34: {  	[smem:$0x3FA5] =	sst s10  }
0x35: {  	s10 =	sld [smem:$0x3FA4];
	_ =	sdelay $0x3  }
0x36: {  	p1 =	seq.s32 s10, $0x1;
	s10 =	sld [smem:$0x3FA5];
	_ =	sdelay $0x3  }
0x37: {  	[smem:$0x3FA5] =	sst s10  }
0x38: {  	s10 =	sld [smem:$0x3FA6]  }
0x39: {  	_ = 	snop;
	(pc) =	sbr.ind lr, $3  }
0x3a: {  	_ = 	snop  }
0x3b: {  	_ = 	snop  }
0x3c: {  	p2 =	seq.s32 s10, $0x1;
	s10 =	sld [smem:$0x3FA5]  }
0x3d: {  	_ =	shalt  }
0x3e: {  	_ =	shalt  }
0x3f: {  	_ =	shalt  }
0x40: {  	_ =	shalt  }
0x41: {  	_ =	shalt  }
0x42: {  	_ =	shalt  }
0x43: {  	_ =	shalt  }
0x44: {  	_ =	shalt  }
0x45: {  	_ =	shalt  }
0x46: {  	_ =	shalt  }
0x47: {  	_ =	shalt  }
0x48: {  	_ =	shalt  }
0x49: {  	_ =	shalt  }
0x4a: {  	_ =	shalt  }
0x4b: {  	_ =	shalt  }
0x4c: {  	_ =	shalt  }
0x4d: {  	_ =	shalt  }
0x4e: {  	_ =	shalt  }
0x4f: {  	_ =	shalt  }
0x50: {  	_ =	shalt  }
0x51: {  	_ =	shalt  }
0x52: {  	_ =	shalt  }
0x53: {  	_ =	shalt  }
0x54: {  	_ =	shalt  }
0x55: {  	_ =	shalt  }
0x56: {  	_ =	shalt  }
0x57: {  	_ =	shalt  }
0x58: {  	_ =	shalt  }
0x59: {  	_ =	shalt  }
0x5a: {  	_ =	shalt  }
0x5b: {  	_ =	shalt  }
0x5c: {  	_ =	shalt  }
0x5d: {  	_ =	shalt  }
0x5e: {  	_ =	shalt  }
0x5f: {  	_ =	shalt  }
0x60: {  	_ =	shalt  }
0x61: {  	_ =	shalt  }
0x62: {  	_ =	shalt  }
0x63: {  	_ =	shalt  }
0x64: {  	_ =	shalt  }
0x65: {  	_ =	shalt  }
0x66: {  	_ =	shalt  }
0x67: {  	_ =	shalt  }
0x68: {  	_ =	shalt  }
0x69: {  	_ =	shalt  }
0x6a: {  	_ =	shalt  }
0x6b: {  	_ =	shalt  }
0x6c: {  	_ =	shalt  }
0x6d: {  	_ =	shalt  }
0x6e: {  	_ =	shalt  }
0x6f: {  	_ =	shalt  }
0x70: {  	_ =	shalt  }
0x71: {  	_ =	shalt  }
0x72: {  	_ =	shalt  }
0x73: {  	_ =	shalt  }
0x74: {  	_ =	shalt  }
0x75: {  	_ =	shalt  }
0x76: {  	_ =	shalt  }
0x77: {  	_ =	shalt  }
0x78: {  	_ =	shalt  }
0x79: {  	_ =	shalt  }
0x7a: {  	_ =	shalt  }
0x7b: {  	_ =	shalt  }
0x7c: {  	_ =	shalt  }
0x7d: {  	_ =	shalt  }
0x7e: {  	_ =	shalt  }
0x7f: {  	_ =	shalt  }
0x80: {  	_ =	shalt  }
0x81: {  	_ =	shalt  }
0x82: {  	_ =	shalt  }
0x83: {  	_ =	shalt  }
0x84: {  	_ =	shalt  }
0x85: {  	_ =	shalt  }
0x86: {  	_ =	shalt  }
0x87: {  	_ =	shalt  }
.Lfunc_end0:
.L_simem_size_0:
called_computation.1_lowered:
.L_overlay_start_0:
0x88: {  	s2 =	sld [smem:$0x3FD9]  }
0x89: {  	s3 =	sld [smem:$0x3FFE];
	_ =	sdelay $0x1  }
0x8a: {  	s1 =	srdreg.scid  }
0x8b: {  	s0 =	sand.u32 $0x1, s1  }
0x8c: {  	s16 =	sshll.u32 s0, $0xA;
	s2 =	sadd.s32 s3, s2  }
0x8d: {  	s2 =	sadd.s32 s2, s16  }
0x8e: {  	[smem:$0x3FB1] =	sst s2  }
0x8f: {  	_ = 	snop  }
0x90: {  	(tm) =	ssettm $0x1  }
0x91: {  	s17 =	sld [smem:$0x3FFB];
	_ =	sdelay $0x3  }
0x92: {  	_ =	strace s17  }
0x93: {  	s2 =	sld [smem:$0x3FFC];
	_ =	sdelay $0x3  }
0x94: {  	_ =	strace s2  }
0x95: {  	s2 =	sld [smem:$0x3FFD];
	_ =	sdelay $0x3  }
0x96: {  	_ =	strace s2  }
0x97: {  	_ =	strace $0x8FFFFFFF  }
0x98: {  	s18 =	sld [smem:$0x3FDB];
	_ =	sdelay $0x1  }
0x99: {  	s19 =	simm.s32 $_scs_section_size  }
0x9a: {  	s4 =	simm.s32 $_size__tile_overlayer_lowered;
	s5 =	simm.s32 $_tile_overlayer_lowered  }
0x9b: {  	s22 =	simm.s32 $0x1BFF;
	s21 =	sshll.u32 s5, $0x1;
	s2 =	sadd.s32 s19, s18  }
0x9c: {  	s6 =	simm.s32 $0x0;
	s20 =	sshll.u32 s4, $0x1;
	s4 =	sadd.s32 s21, s2  }
0x9d: {  	[timem:s6], [sflag:s22] =	dma.local [hbm:s4], s20  }
0x9e: {  	_ =	swait.ge [sflag:s22], s20  }
0x9f: {  	s3 =	ssub.s32 $0x0, s20;
	[sflag:s22] =	ssyncset.done $0x0  }
0xa0: {  	[sflag:s22] =	ssyncadd.s32 s3;
	_ =	sdelay $0x1  }
0xa1: {  	s23 =	simm.s32 $0x1B8B  }
0xa2: {  	_ =	swait.ge [sflag:s23], $0x1  }
0xa3: {  	[sflag:s23] =	ssyncset.done $0x0  }
0xa4: {  	s25 =	simm.s32 $0x1B8E;
	s24 =	sld [smem:$0x3FFE];
	[sflag:s23] =	ssyncadd.s32 $0xFFFFFFFF  }
0xa5: {  	s26 =	simm.s32 $execute0_lowered;
	[smem:$0x3FD2] =	sst s25  }
0xa6: {  	s4 =	sshll.u32 s26, $0x1;
	_ =	strace $0x8000004C;
	[dreg:$0x1] =	wrdreg $0xFFFFFFFF  }
0xa7: {  	s28 =	simm.s32 $_size_execute0_lowered;
	s2 =	sadd.s32 s2, s4;
	[dreg:$0x0] =	wrdreg $0x0  }
0xa8: {  	s4 =	sshll.u32 s28, $0x1;
	[dreg:$0x2] =	wrdreg s2  }
0xa9: {  	[dreg:$0x3] =	wrdreg s4  }
0xaa: {  	[dreg:$0x4] =	wrdreg $0xC0  }
0xab: {  	_ =	task [dreg:s6], $0x5FFFF  }
0xac: {  	[dreg:$0x1] =	wrdreg $0xFFFFFFFF  }
0xad: {  	[dreg:$0x0] =	wrdreg $0x60  }
0xae: {  	[dreg:$0x2] =	wrdreg s24  }
0xaf: {  	[dreg:$0x3] =	wrdreg $0x40800  }
0xb0: {  	[dreg:$0x4] =	wrdreg $0x9  }
0xb1: {  	_ =	task.clear_ibuf [dreg:s6], $0x5FFFF;
	_ =	strace $0x9000004C  }
0xb2: {  	s29 =	simm.s32 $0x9;
	_ =	strace $0x8000004E  }
0xb3: {  	_ =	swait.ge [sflag:s29], $0x1  }
0xb4: {  	[sflag:s29] =	ssyncadd.s32 $0xFFFFFFFF  }
0xb5: {  	_ =	strace $0x9000004E  }
0xb6: {  	_ =	sfence  }
0xb7: {  	s30 =	sld [smem:$0x0];
	_ =	sdelay $0x2  }
0xb8: {  	s31 =	sshll.u32 s1, $0xD;
	s1 =	sshrl.u32 s1, $0x2  }
0xb9: {  	s3 =	sand.u32 $0x4000, s31;
	s1 =	sadd.s32 s1, s30  }
0xba: {  	s0 =	sor.u32 s3, s0;
	s1 =	sshll.u32 s1, $0x11  }
0xbb: {  	s0 =	sor.u32 s1, s0  }
0xbc: {  	s0 =	sadd.s32 $0x8F2B, s0  }
0xbd: {  	[sflag:s0] =	ssyncadd.remote.s32 $0x1  }
0xbe: {  	_ =	sfence.sel $0xFFFF  }
0xbf: {  	[dreg:$0x0] =	wrdreg $0xFFFFFFFF;
	(pc) =	sbr.abs _section_cstart, $3  }
0xc0: {  	[dreg:$0x1] =	wrdreg $0xFFFFFFFF  }
0xc1: {  	_ =	task.clear_ibuf [dreg:s6], $0x2FFFF;
	_ =	strace $0x9FFFFFFF  }
0xc2: {  	(tm) =	ssettm $0x7FFFFFFF  }
0xc3: {  	_ =	shalt  }
tec
execute0_lowered:
.L_overlay_start_1:
0x0: {  	(tag) =	ssettag $0x1  }
0x1: {  	s4 =	rddreg [dreg:$0x0]  }
0x2: {  	s1 =	rddreg [dreg:$0x1]  }
0x3: {  	s0 =	rddreg [dreg:$0x2];
	s3 =	simm.s32 $0x0;
	s2 =	srdreg.scid  }
0x4: {  	[smem:$0x7FF] =	sst s3;
	s9 =	sand.u32 $0x1, s2  }
0x5: {  	s2 =	stileid.u32;
	s5 =	smul.u32 $0x138800, s9  }
0x6: {  	s6 =	sshll.u32 s2, $0x5;
	s7 =	sshll.u32 s9, $0x4;
	s8 =	smul.u32 $0x1F400, s2  }
0x7: {  	_ =	strace $0x8000004D;
	s10 =	sshll.u32 s2, $0xC;
	s29 =	ssub.s32 $0x2, s9  }
0x8: {  	s11 =	smul.u32 $0x7D000, s2;
	s30 =	sshll.u32 s2, $0x1;
	s13 =	sshll.u32 s9, $0xB  }
0x9: {  	p0 =	sgt.u32 s2, $0x9;
	s6 =	sor.u32 s7, s6;
	s26 =	sadd.s32 s10, s4  }
0xa: {  	s12 =	sshrl.u32 s29, $0x1;
	s9 =	sor.u32 s9, s30;
	s28 =	sand.u32 $0x180, s6  }
0xb: {  	s5 =	sadd.s32 s8, s5;
	s8 =	ssub.s32 s29, s12;
	s11 =	sshrl.u32 s11, $0x2  }
0xc: {  	s6 =	sand.u32 $0x70, s6;
	s31 =	sadd.s32 s13, s26;
	s5 =	sshrl.u32 s5, $0x3  }
0xd: {  	s10 =	sadd.s32 s28, s4;
	s11 =	sadd.s32 s11, s1;
	s5 =	sadd.s32 s5, s4  }
0xe: {  	s4 =	sadd.s32 $0x322000, s4;
	s10 =	sadd.s32 s6, s10;
	s6 =	smax.u32 s8, $0x1  }
0xf: {  	s8 =	sadd.s32 $0x53B4800, s31;
	s7 =	sadd.s32 $0x6800, s10;
	s10 =	sshll.u32 @!p0 s2, $0x6  }
0x10: {  	s11 =	sshrl.u32 @!p0 s11, $0x3;
	s5 =	sadd.s32 $0x326000, s5;
	s10 =	sor.u32 @!p0 $0x1C01, s10  }
.LBB2_1:
0x11: {  	[spmem:s11], [sflag:s10] =	dma.local @!p0 [hbm:s4], $0x3E80  }
0x12: {  	s12 =	simm.s32 @!p0 $0x1  }
0x13: {  	_ =	swait.ge @!p0 [sflag:s12], $0x3E80  }
0x14: {  	s13 =	sadd.s32 $0x0, s9;
	[sflag:s12] =	ssyncset.done @!p0 $0x0  }
0x15: {  	p1 =	sgt.u32 s13, $0x4E1;
	[sflag:s12] =	ssyncadd.s32 @!p0 $0xFFFFC180  }
0x16: {  	s14 =	simm.s32 @!p1 $0x2;
	s12 =	simm.s32 @!p1 $0x0;
	[bflag:$0x0] =	sbarrier.arrive $0xFFFF  }
0x17: {  	[tilespmem:s12], [sflag:$0x2] =	stream.linear.gather @!p1 [hbm4b:s7+s12], $0x80, $0x38;
	[tilespmem:$0x17900] =	vst v63  }
0x18: {  	_ =	swait.ge @!p1 [sflag:s14], $0x80  }
0x19: {  	[sflag:s14] =	ssyncset.done @!p1 $0x0;
	p1 =	por p1, p1  }
0x1a: {  	[sflag:s14] =	ssyncadd.s32 @!p1 $0xFFFFFF80;
	s16 =	simm.s32 @!p1 $0x80  }
0x1b: {  	[tilespmem:s16], [sflag:$0x2] =	stream.linear.gather @!p1 [hbm4b:s8+s12], $0x4000, $0x38;
	[tilespmem:$0x17900] =	vst v63  }
0x1c: {  	_ =	swait.ge @!p1 [sflag:s14], $0x4000  }
0x1d: {  	[sflag:s14] =	ssyncset.done @!p1 $0x0  }
0x1e: {  	s31 =	sadd.s32 $0x20, s9;
	s15 =	simm.s32 @!p1 $0x1;
	[sflag:s14] =	ssyncadd.s32 @!p1 $0xFFFFC000  }
0x1f: {  	[spmem:s1] =	stream.indirect.scatter.add.f32 @!p1 [tilespmem:s16], [sflag:$0x1], $0x80, s12, s16, $0xb8;
	[tilespmem:$0x17900] =	vst v63  }
0x20: {  	s13 =	simm.s32 $0x40;
	p2 =	sgt.u32 s31, $0x4E1;
	_ =	swait.ge @!p1 [sflag:s15], $0x4000  }
0x21: {  	s14 =	sadd.s32 $0x200, s7;
	s12 =	sadd.s32 $0x10000, s8;
	[sflag:s15] =	ssyncset.done @!p1 $0x0  }
.LBB2_2:
0x22: {  	s16 =	simm.s32 @!p2 $0x0;
	s17 =	simm.s32 @!p2 $0x2;
	[sflag:s15] =	ssyncadd.s32 @!p1 $0xFFFFC000  }
0x23: {  	[tilespmem:s16], [sflag:$0x2] =	stream.linear.gather @!p2 [hbm4b:s14+s16], $0x80, $0x38;
	[tilespmem:$0x17900] =	vst v63  }
0x24: {  	s18 =	smov.u32 s13;
	s13 =	sadd.s32 $0x20, s13;
	_ =	swait.ge @!p2 [sflag:s17], $0x80  }
0x25: {  	p1 =	por p2, p2;
	p3 =	sne.s32 s13, $0x500;
	[sflag:s17] =	ssyncset.done @!p2 $0x0  }
0x26: {  	s19 =	simm.s32 @!p1 $0x80;
	[sflag:s17] =	ssyncadd.s32 @!p1 $0xFFFFFF80  }
0x27: {  	[tilespmem:s19], [sflag:$0x2] =	stream.linear.gather @!p1 [hbm4b:s12+s16], $0x4000, $0x38;
	[tilespmem:$0x17900] =	vst v63  }
0x28: {  	_ =	swait.ge @!p1 [sflag:s17], $0x4000  }
.Ltmp0:
0x29: {  	[sflag:s17] =	ssyncset.done @!p1 $0x0;
	(pc) =	sbr.rel @p3 .LBB2_2-.Ltmp0, $4  }
0x2a: {  	s15 =	simm.s32 @!p1 $0x1;
	[sflag:s17] =	ssyncadd.s32 @!p1 $0xFFFFC000  }
0x2b: {  	[spmem:s1] =	stream.indirect.scatter.add.f32 @!p1 [tilespmem:s19], [sflag:$0x1], $0x80, s16, s19, $0xb8;
	[tilespmem:$0x17900] =	vst v63  }
0x2c: {  	s12 =	sadd.s32 $0x10000, s12;
	s16 =	sadd.s32 s18, s9;
	_ =	swait.ge @!p1 [sflag:s15], $0x4000  }
0x2d: {  	s14 =	sadd.s32 $0x200, s14;
	p2 =	sgt.u32 s16, $0x4E1;
	[sflag:s15] =	ssyncset.done @!p1 $0x0  }
0x2e: {  	s13 =	simm.s32 @!p2 $0x0;
	s16 =	simm.s32 @!p2 $0x2;
	[sflag:s15] =	ssyncadd.s32 @!p1 $0xFFFFC000  }
0x2f: {  	[tilespmem:s13], [sflag:$0x2] =	stream.linear.gather @!p2 [hbm4b:s14+s13], $0x80, $0x38;
	[tilespmem:$0x17900] =	vst v63  }
0x30: {  	_ =	swait.ge @!p2 [sflag:s16], $0x80  }
0x31: {  	p1 =	por p2, p2;
	[sflag:s16] =	ssyncset.done @!p2 $0x0  }
0x32: {  	s14 =	simm.s32 @!p1 $0x80;
	[sflag:s16] =	ssyncadd.s32 @!p1 $0xFFFFFF80  }
0x33: {  	[tilespmem:s14], [sflag:$0x2] =	stream.linear.gather @!p1 [hbm4b:s12+s13], $0x4000, $0x38;
	[tilespmem:$0x17900] =	vst v63  }
0x34: {  	_ =	swait.ge @!p1 [sflag:s16], $0x4000  }
0x35: {  	[sflag:s16] =	ssyncset.done @!p1 $0x0  }
0x36: {  	s12 =	simm.s32 @!p1 $0x1;
	[sflag:s16] =	ssyncadd.s32 @!p1 $0xFFFFC000  }
0x37: {  	[spmem:s1] =	stream.indirect.scatter.add.f32 @!p1 [tilespmem:s14], [sflag:$0x1], $0x80, s13, s14, $0xb8;
	[tilespmem:$0x17900] =	vst v63  }
0x38: {  	_ =	swait.ge @!p1 [sflag:s12], $0x4000  }
0x39: {  	s3 =	sadd.s32 $0x1, s3;
	[sflag:s12] =	ssyncset.done @!p1 $0x0  }
0x3a: {  	[sflag:s12] =	ssyncadd.s32 @!p1 $0xFFFFC000;
	p1 =	sne.s32 s3, s6  }
.Ltmp1:
0x3b: {  	s12 =	simm.s32 @!p0 $0x1;
	[bflag:$0x0] =	sbarrier.arrive $0xFFFF;
	(pc) =	sbr.rel @p1 .LBB2_1-.Ltmp1, $4  }
0x3c: {  	[hbm:s5], [sflag:s10] =	dma.local @!p0 [spmem:s11], $0x3E80  }
0x3d: {  	_ =	swait.ge @!p0 [sflag:s12], $0x3E80  }
0x3e: {  	[sflag:s12] =	ssyncset.done @!p0 $0x0  }
0x3f: {  	[sflag:s12] =	ssyncadd.s32 @!p0 $0xFFFFC180  }
0x40: {  	_ =	sfence.sel $0x180000  }
0x41: {  	[bflag:$0x0] =	sbarrier.arrive $0xFFFF  }
0x42: {  	p0 =	sne.s32 s2, $0x0;
	_ =	strace $0x9000004D  }
0x43: {  	s0 =	sadd.s32 @!p0 $0x100000, s0;
	[bflag:$0x2] =	sbarrier.arrive $0xFFFF  }
0x44: {  	[sflag:s0] =	ssyncadd.tile.s32 @!p0 $0x1;
	_ =	shalt  }
.Lfunc_end2:
_tile_overlayer_lowered:
.L_overlay_start_2:
0x45: {  	(tag) =	ssettag $0x2  }
0x46: {  	s0 =	rddreg [dreg:$0x0];
	s2 =	stileid.u32  }
0x47: {  	s1 =	rddreg [dreg:$0x1];
	p0 =	sne.s32 s2, $0x0  }
0x48: {  	s3 =	rddreg [dreg:$0x2];
	[bflag:$0x3] =	sbarrier.arrive $0xFFFF;
	s2 =	simm.s32 @!p0 $0x1C01  }
0x49: {  	[timem:s3], [sflag:s2] =	dma.local @!p0 [hbm:s0], s1  }
0x4a: {  	s0 =	simm.s32 @!p0 $0x1  }
0x4b: {  	_ =	swait.ge @!p0 [sflag:s0], s1  }
0x4c: {  	s1 =	ssub.s32 @!p0 $0x0, s1;
	[sflag:s0] =	ssyncset.done @!p0 $0x0  }
0x4d: {  	[sflag:s0] =	ssyncadd.s32 @!p0 s1  }
0x4e: {  	[bflag:$0x3] =	sbarrier.arrive $0xFFFF  }
0x4f: {  	_ =	shalt  }

// kernel: kernel.7.cloned.1.call-start
scs
__scs_entry_jumppad:
0x0: {  	(pc) =	sbr.rel $0x88, $3  }
0x1: {  	(tag) =	ssettag $0x0;
	lr =	simm.s32 $0x1  }
0x2: {  	[smem:$0x3F8A] =	sst lr;
	_ =	strace $0xD0000000  }
0x3: {  	_ = 	snop  }
0x4: {  	_ = 	snop  }
0x5: {  	_ = 	snop  }
0x6: {  	_ = 	snop  }
0x7: {  	_ = 	snop  }
__scs_overlays_trampoline_lowered:
0x8: {  	[smem:$0x3F99] =	sst s0  }
0x9: {  	[smem:$0x3F9A] =	sst s1  }
0xa: {  	[smem:$0x3F9B] =	sst s2  }
0xb: {  	[smem:$0x3F9C] =	sst s3  }
0xc: {  	[smem:$0x3F9D] =	sst s4  }
0xd: {  	[smem:$0x3F9E] =	sst s5  }
0xe: {  	[smem:$0x3F9F] =	sst s6  }
0xf: {  	[smem:$0x3FA0] =	sst s7  }
0x10: {  	[smem:$0x3FA1] =	sst s8  }
0x11: {  	[smem:$0x3FA2] =	sst s9;
	s0 =	simm.s32 @!p0 $0x0  }
0x12: {  	s1 =	sld [smem:$0x3F88];
	s0 =	simm.s32 @p0 $0x1  }
0x13: {  	[smem:$0x3FA3] =	sst s0;
	s0 =	simm.s32 @!p1 $0x0  }
0x14: {  	s2 =	sld [smem:$0x3F87];
	s0 =	simm.s32 @p1 $0x1  }
0x15: {  	[smem:$0x3FA4] =	sst s0;
	s0 =	simm.s32 @!p2 $0x0  }
0x16: {  	s3 =	sld [smem:$0x3FDB];
	s0 =	simm.s32 @p2 $0x1  }
0x17: {  	s4 =	simm.s32 $0x1BF5;
	[smem:$0x3FA6] =	sst s0  }
0x18: {  	s0 =	sld [smem:$0x3F89];
	_ =	swait.ge [sflag:s4], $0x0  }
0x19: {  	s7 =	sld [smem:$0x3F8A]  }
0x1a: {  	s8 =	sadd.s32 $0xFFFFE003, lr  }
0x1b: {  	s9 =	sadd.s32 $0xFFFFFEF7, lr;
	s5 =	simm.s32 $0xFFFFFFFF;
	p2 =	slt.u32 s8, $0xFFFFF086  }
0x1c: {  	p1 =	slt.u32 s9, $0xF7A;
	s5 =	simm.s32 @!p2 $0x0  }
0x1d: {  	s5 =	simm.s32 @p1 $0x1;
	p0 =	seq.s32 s7, s2  }
0x1e: {  	s7 =	smul.u32 @!p0 $0xF7A, s2;
	p2 =	seq.s32 @!p0 s5, $0x0  }
0x1f: {  	s9 =	smul.u32 $0xF7A, s1;
	s8 =	simm.s32 @!p0 $0x1BF5;
	p2 =	por !p2, p0  }
0x20: {  	[sflag:s8] =	ssyncset.s32 @!p0 $0xFFFFF086;
	s6 =	sadd.s32 @!p0 s3, s7;
	s7 =	simm.s32 @!p0 $0x108  }
0x21: {  	s3 =	sadd.s32 s3, s9;
	s6 =	sadd.s32 @!p0 $0x88, s6;
	s7 =	simm.s32 @p2 $0x1082  }
0x22: {  	[simem:s7], [sflag:s8] =	dma.local @!p0 [hbm:s6], $0xF7A  }
0x23: {  	s9 =	sor.u32 $0xD0000000, s2;
	s6 =	simm.s32 $0x108;
	_ =	swait.ge @!p0 [sflag:s8], $0x0  }
0x24: {  	s3 =	sadd.s32 $0x88, s3;
	s6 =	simm.s32 @!p1 $0x1082;
	[sflag:s4] =	ssyncset.s32 $0xFFFFF086  }
0x25: {  	[simem:s6], [sflag:s4] =	dma.local [hbm:s3], $0xF7A  }
0x26: {  	[smem:$0x3F8A] =	sst s1;
	(tag) =	ssettag s2;
	_ =	strace s9  }
0x27: {  	s1 =	sld [smem:$0x3F9A]  }
0x28: {  	s2 =	sld [smem:$0x3F9B]  }
0x29: {  	s4 =	sld [smem:$0x3F9D]  }
0x2a: {  	p0 =	seq.s32 s5, $0x0;
	s5 =	sld [smem:$0x3F9E]  }
0x2b: {  	s6 =	sld [smem:$0x3F9F]  }
0x2c: {  	s7 =	sld [smem:$0x3FA0]  }
0x2d: {  	s3 =	simm.s32 $0x108;
	s8 =	sld [smem:$0x3FA1]  }
0x2e: {  	s3 =	simm.s32 @!p0 $0x1082;
	s9 =	sld [smem:$0x3FA2]  }
0x2f: {  	lr =	sadd.s32 s0, s3;
	s0 =	sld [smem:$0x3F99]  }
0x30: {  	s3 =	sld [smem:$0x3F9C]  }
0x31: {  	[smem:$0x3FA5] =	sst s10  }
0x32: {  	s10 =	sld [smem:$0x3FA3];
	_ =	sdelay $0x3  }
0x33: {  	p0 =	seq.s32 s10, $0x1;
	s10 =	sld [smem:$0x3FA5];
	_ =	sdelay $0x3  }
0x34: {  	[smem:$0x3FA5] =	sst s10  }
0x35: {  	s10 =	sld [smem:$0x3FA4];
	_ =	sdelay $0x3  }
0x36: {  	p1 =	seq.s32 s10, $0x1;
	s10 =	sld [smem:$0x3FA5];
	_ =	sdelay $0x3  }
0x37: {  	[smem:$0x3FA5] =	sst s10  }
0x38: {  	s10 =	sld [smem:$0x3FA6]  }
0x39: {  	_ = 	snop;
	(pc) =	sbr.ind lr, $3  }
0x3a: {  	_ = 	snop  }
0x3b: {  	_ = 	snop  }
0x3c: {  	p2 =	seq.s32 s10, $0x1;
	s10 =	sld [smem:$0x3FA5]  }
0x3d: {  	_ =	shalt  }
0x3e: {  	_ =	shalt  }
0x3f: {  	_ =	shalt  }
0x40: {  	_ =	shalt  }
0x41: {  	_ =	shalt  }
0x42: {  	_ =	shalt  }
0x43: {  	_ =	shalt  }
0x44: {  	_ =	shalt  }
0x45: {  	_ =	shalt  }
0x46: {  	_ =	shalt  }
0x47: {  	_ =	shalt  }
0x48: {  	_ =	shalt  }
0x49: {  	_ =	shalt  }
0x4a: {  	_ =	shalt  }
0x4b: {  	_ =	shalt  }
0x4c: {  	_ =	shalt  }
0x4d: {  	_ =	shalt  }
0x4e: {  	_ =	shalt  }
0x4f: {  	_ =	shalt  }
0x50: {  	_ =	shalt  }
0x51: {  	_ =	shalt  }
0x52: {  	_ =	shalt  }
0x53: {  	_ =	shalt  }
0x54: {  	_ =	shalt  }
0x55: {  	_ =	shalt  }
0x56: {  	_ =	shalt  }
0x57: {  	_ =	shalt  }
0x58: {  	_ =	shalt  }
0x59: {  	_ =	shalt  }
0x5a: {  	_ =	shalt  }
0x5b: {  	_ =	shalt  }
0x5c: {  	_ =	shalt  }
0x5d: {  	_ =	shalt  }
0x5e: {  	_ =	shalt  }
0x5f: {  	_ =	shalt  }
0x60: {  	_ =	shalt  }
0x61: {  	_ =	shalt  }
0x62: {  	_ =	shalt  }
0x63: {  	_ =	shalt  }
0x64: {  	_ =	shalt  }
0x65: {  	_ =	shalt  }
0x66: {  	_ =	shalt  }
0x67: {  	_ =	shalt  }
0x68: {  	_ =	shalt  }
0x69: {  	_ =	shalt  }
0x6a: {  	_ =	shalt  }
0x6b: {  	_ =	shalt  }
0x6c: {  	_ =	shalt  }
0x6d: {  	_ =	shalt  }
0x6e: {  	_ =	shalt  }
0x6f: {  	_ =	shalt  }
0x70: {  	_ =	shalt  }
0x71: {  	_ =	shalt  }
0x72: {  	_ =	shalt  }
0x73: {  	_ =	shalt  }
0x74: {  	_ =	shalt  }
0x75: {  	_ =	shalt  }
0x76: {  	_ =	shalt  }
0x77: {  	_ =	shalt  }
0x78: {  	_ =	shalt  }
0x79: {  	_ =	shalt  }
0x7a: {  	_ =	shalt  }
0x7b: {  	_ =	shalt  }
0x7c: {  	_ =	shalt  }
0x7d: {  	_ =	shalt  }
0x7e: {  	_ =	shalt  }
0x7f: {  	_ =	shalt  }
0x80: {  	_ =	shalt  }
0x81: {  	_ =	shalt  }
0x82: {  	_ =	shalt  }
0x83: {  	_ =	shalt  }
0x84: {  	_ =	shalt  }
0x85: {  	_ =	shalt  }
0x86: {  	_ =	shalt  }
0x87: {  	_ =	shalt  }
.Lfunc_end0:
.L_simem_size_0:
called_computation.2_lowered:
.L_overlay_start_0:
0x88: {  	s2 =	sld [smem:$0x3FD9]  }
0x89: {  	s3 =	sld [smem:$0x3FFE];
	_ =	sdelay $0x1  }
0x8a: {  	s1 =	srdreg.scid  }
0x8b: {  	s0 =	sand.u32 $0x1, s1  }
0x8c: {  	s16 =	sshll.u32 s0, $0xA;
	s2 =	sadd.s32 s3, s2  }
0x8d: {  	s2 =	sadd.s32 s2, s16  }
0x8e: {  	[smem:$0x3FB1] =	sst s2  }
0x8f: {  	_ = 	snop  }
0x90: {  	(tm) =	ssettm $0x1  }
0x91: {  	s17 =	sld [smem:$0x3FFB];
	_ =	sdelay $0x3  }
0x92: {  	_ =	strace s17  }
0x93: {  	s2 =	sld [smem:$0x3FFC];
	_ =	sdelay $0x3  }
0x94: {  	_ =	strace s2  }
0x95: {  	s2 =	sld [smem:$0x3FFD];
	_ =	sdelay $0x3  }
0x96: {  	_ =	strace s2  }
0x97: {  	_ =	strace $0x8FFFFFFF  }
0x98: {  	s18 =	sld [smem:$0x3FDB];
	_ =	sdelay $0x1  }
0x99: {  	s19 =	simm.s32 $_scs_section_size  }
0x9a: {  	s4 =	simm.s32 $_size__tile_overlayer_lowered;
	s5 =	simm.s32 $_tile_overlayer_lowered  }
0x9b: {  	s22 =	simm.s32 $0x1BFF;
	s21 =	sshll.u32 s5, $0x1;
	s2 =	sadd.s32 s19, s18  }
0x9c: {  	s6 =	simm.s32 $0x0;
	s20 =	sshll.u32 s4, $0x1;
	s4 =	sadd.s32 s21, s2  }
0x9d: {  	[timem:s6], [sflag:s22] =	dma.local [hbm:s4], s20  }
0x9e: {  	_ =	swait.ge [sflag:s22], s20  }
0x9f: {  	s3 =	ssub.s32 $0x0, s20;
	[sflag:s22] =	ssyncset.done $0x0  }
0xa0: {  	[sflag:s22] =	ssyncadd.s32 s3;
	_ =	sdelay $0x1  }
0xa1: {  	s23 =	simm.s32 $0x1B8B  }
0xa2: {  	_ =	swait.ge [sflag:s23], $0x1  }
0xa3: {  	[sflag:s23] =	ssyncset.done $0x0  }
0xa4: {  	s25 =	simm.s32 $0x1B8E;
	s24 =	sld [smem:$0x3FFE];
	[sflag:s23] =	ssyncadd.s32 $0xFFFFFFFF  }
0xa5: {  	s26 =	simm.s32 $execute0_lowered;
	[smem:$0x3FD2] =	sst s25  }
0xa6: {  	s4 =	sshll.u32 s26, $0x1;
	_ =	strace $0x80000046;
	[dreg:$0x1] =	wrdreg $0xFFFFFFFF  }
0xa7: {  	s28 =	simm.s32 $_size_execute0_lowered;
	s2 =	sadd.s32 s2, s4;
	[dreg:$0x0] =	wrdreg $0x0  }
0xa8: {  	s4 =	sshll.u32 s28, $0x1;
	[dreg:$0x2] =	wrdreg s2  }
0xa9: {  	[dreg:$0x3] =	wrdreg s4  }
0xaa: {  	[dreg:$0x4] =	wrdreg $0xC0  }
0xab: {  	_ =	task [dreg:s6], $0x5FFFF  }
0xac: {  	[dreg:$0x1] =	wrdreg $0xFFFFFFFF  }
0xad: {  	[dreg:$0x0] =	wrdreg $0x60  }
0xae: {  	[dreg:$0x2] =	wrdreg s24  }
0xaf: {  	[dreg:$0x3] =	wrdreg $0x40800  }
0xb0: {  	[dreg:$0x4] =	wrdreg $0x9  }
0xb1: {  	_ =	task.clear_ibuf [dreg:s6], $0x5FFFF;
	_ =	strace $0x90000046  }
0xb2: {  	s29 =	simm.s32 $0x9;
	_ =	strace $0x80000048  }
0xb3: {  	_ =	swait.ge [sflag:s29], $0x1  }
0xb4: {  	[sflag:s29] =	ssyncadd.s32 $0xFFFFFFFF  }
0xb5: {  	_ =	strace $0x90000048  }
0xb6: {  	_ =	sfence  }
0xb7: {  	s30 =	sld [smem:$0x0];
	_ =	sdelay $0x2  }
0xb8: {  	s31 =	sshll.u32 s1, $0xD;
	s1 =	sshrl.u32 s1, $0x2  }
0xb9: {  	s3 =	sand.u32 $0x4000, s31;
	s1 =	sadd.s32 s1, s30  }
0xba: {  	s0 =	sor.u32 s3, s0;
	s1 =	sshll.u32 s1, $0x11  }
0xbb: {  	s0 =	sor.u32 s1, s0  }
0xbc: {  	s0 =	sadd.s32 $0x8F2B, s0  }
0xbd: {  	[sflag:s0] =	ssyncadd.remote.s32 $0x1  }
0xbe: {  	_ =	sfence.sel $0xFFFF  }
0xbf: {  	[dreg:$0x0] =	wrdreg $0xFFFFFFFF;
	(pc) =	sbr.abs _section_cstart, $3  }
0xc0: {  	[dreg:$0x1] =	wrdreg $0xFFFFFFFF  }
0xc1: {  	_ =	task.clear_ibuf [dreg:s6], $0x2FFFF;
	_ =	strace $0x9FFFFFFF  }
0xc2: {  	(tm) =	ssettm $0x7FFFFFFF  }
0xc3: {  	_ =	shalt  }
tec
execute0_lowered:
.L_overlay_start_1:
0x0: {  	(tag) =	ssettag $0x1  }
0x1: {  	s4 =	rddreg [dreg:$0x0]  }
0x2: {  	s1 =	rddreg [dreg:$0x1]  }
0x3: {  	s0 =	rddreg [dreg:$0x2];
	s3 =	simm.s32 $0x0;
	s2 =	srdreg.scid  }
0x4: {  	[smem:$0x7FF] =	sst s3;
	s9 =	sand.u32 $0x1, s2  }
0x5: {  	s2 =	stileid.u32;
	s5 =	smul.u32 $0x138800, s9  }
0x6: {  	s6 =	sshll.u32 s2, $0x5;
	s7 =	sshll.u32 s9, $0x4;
	s8 =	smul.u32 $0x1F400, s2  }
0x7: {  	_ =	strace $0x80000047;
	s10 =	sshll.u32 s2, $0xC;
	s29 =	ssub.s32 $0x2, s9  }
0x8: {  	s11 =	smul.u32 $0x7D000, s2;
	s30 =	sshll.u32 s2, $0x1;
	s13 =	sshll.u32 s9, $0xB  }
0x9: {  	p0 =	sgt.u32 s2, $0x9;
	s6 =	sor.u32 s7, s6;
	s26 =	sadd.s32 s10, s4  }
0xa: {  	s12 =	sshrl.u32 s29, $0x1;
	s9 =	sor.u32 s9, s30;
	s28 =	sand.u32 $0x180, s6  }
0xb: {  	s5 =	sadd.s32 s8, s5;
	s8 =	ssub.s32 s29, s12;
	s11 =	sshrl.u32 s11, $0x2  }
0xc: {  	s6 =	sand.u32 $0x70, s6;
	s31 =	sadd.s32 s13, s26;
	s5 =	sshrl.u32 s5, $0x3  }
0xd: {  	s10 =	sadd.s32 s28, s4;
	s11 =	sadd.s32 s11, s1;
	s5 =	sadd.s32 s5, s4  }
0xe: {  	s4 =	sadd.s32 $0x281800, s4;
	s10 =	sadd.s32 s6, s10;
	s6 =	smax.u32 s8, $0x1  }
0xf: {  	s8 =	sadd.s32 $0x10800, s31;
	s7 =	sadd.s32 $0x6800, s10;
	s10 =	sshll.u32 @!p0 s2, $0x6  }
0x10: {  	s11 =	sshrl.u32 @!p0 s11, $0x3;
	s5 =	sadd.s32 $0x285800, s5;
	s10 =	sor.u32 @!p0 $0x1C01, s10  }
.LBB2_1:
0x11: {  	[spmem:s11], [sflag:s10] =	dma.local @!p0 [hbm:s4], $0x3E80  }
0x12: {  	s12 =	simm.s32 @!p0 $0x1  }
0x13: {  	_ =	swait.ge @!p0 [sflag:s12], $0x3E80  }
0x14: {  	s13 =	sadd.s32 $0x0, s9;
	[sflag:s12] =	ssyncset.done @!p0 $0x0  }
0x15: {  	p1 =	sgt.u32 s13, $0x4E1;
	[sflag:s12] =	ssyncadd.s32 @!p0 $0xFFFFC180  }
0x16: {  	s14 =	simm.s32 @!p1 $0x2;
	s12 =	simm.s32 @!p1 $0x0;
	[bflag:$0x0] =	sbarrier.arrive $0xFFFF  }
0x17: {  	[tilespmem:s12], [sflag:$0x2] =	stream.linear.gather @!p1 [hbm4b:s7+s12], $0x80, $0x38;
	[tilespmem:$0x17900] =	vst v63  }
0x18: {  	_ =	swait.ge @!p1 [sflag:s14], $0x80  }
0x19: {  	[sflag:s14] =	ssyncset.done @!p1 $0x0;
	p1 =	por p1, p1  }
0x1a: {  	[sflag:s14] =	ssyncadd.s32 @!p1 $0xFFFFFF80;
	s16 =	simm.s32 @!p1 $0x80  }
0x1b: {  	[tilespmem:s16], [sflag:$0x2] =	stream.linear.gather @!p1 [hbm4b:s8+s12], $0x4000, $0x38;
	[tilespmem:$0x17900] =	vst v63  }
0x1c: {  	_ =	swait.ge @!p1 [sflag:s14], $0x4000  }
0x1d: {  	[sflag:s14] =	ssyncset.done @!p1 $0x0  }
0x1e: {  	s31 =	sadd.s32 $0x20, s9;
	s15 =	simm.s32 @!p1 $0x1;
	[sflag:s14] =	ssyncadd.s32 @!p1 $0xFFFFC000  }
0x1f: {  	[spmem:s1] =	stream.indirect.scatter.add.f32 @!p1 [tilespmem:s16], [sflag:$0x1], $0x80, s12, s16, $0xb8;
	[tilespmem:$0x17900] =	vst v63  }
0x20: {  	s13 =	simm.s32 $0x40;
	p2 =	sgt.u32 s31, $0x4E1;
	_ =	swait.ge @!p1 [sflag:s15], $0x4000  }
0x21: {  	s14 =	sadd.s32 $0x200, s7;
	s12 =	sadd.s32 $0x10000, s8;
	[sflag:s15] =	ssyncset.done @!p1 $0x0  }
.LBB2_2:
0x22: {  	s16 =	simm.s32 @!p2 $0x0;
	s17 =	simm.s32 @!p2 $0x2;
	[sflag:s15] =	ssyncadd.s32 @!p1 $0xFFFFC000  }
0x23: {  	[tilespmem:s16], [sflag:$0x2] =	stream.linear.gather @!p2 [hbm4b:s14+s16], $0x80, $0x38;
	[tilespmem:$0x17900] =	vst v63  }
0x24: {  	s18 =	smov.u32 s13;
	s13 =	sadd.s32 $0x20, s13;
	_ =	swait.ge @!p2 [sflag:s17], $0x80  }
0x25: {  	p1 =	por p2, p2;
	p3 =	sne.s32 s13, $0x500;
	[sflag:s17] =	ssyncset.done @!p2 $0x0  }
0x26: {  	s19 =	simm.s32 @!p1 $0x80;
	[sflag:s17] =	ssyncadd.s32 @!p1 $0xFFFFFF80  }
0x27: {  	[tilespmem:s19], [sflag:$0x2] =	stream.linear.gather @!p1 [hbm4b:s12+s16], $0x4000, $0x38;
	[tilespmem:$0x17900] =	vst v63  }
0x28: {  	_ =	swait.ge @!p1 [sflag:s17], $0x4000  }
.Ltmp0:
0x29: {  	[sflag:s17] =	ssyncset.done @!p1 $0x0;
	(pc) =	sbr.rel @p3 .LBB2_2-.Ltmp0, $4  }
0x2a: {  	s15 =	simm.s32 @!p1 $0x1;
	[sflag:s17] =	ssyncadd.s32 @!p1 $0xFFFFC000  }
0x2b: {  	[spmem:s1] =	stream.indirect.scatter.add.f32 @!p1 [tilespmem:s19], [sflag:$0x1], $0x80, s16, s19, $0xb8;
	[tilespmem:$0x17900] =	vst v63  }
0x2c: {  	s12 =	sadd.s32 $0x10000, s12;
	s16 =	sadd.s32 s18, s9;
	_ =	swait.ge @!p1 [sflag:s15], $0x4000  }
0x2d: {  	s14 =	sadd.s32 $0x200, s14;
	p2 =	sgt.u32 s16, $0x4E1;
	[sflag:s15] =	ssyncset.done @!p1 $0x0  }
0x2e: {  	s13 =	simm.s32 @!p2 $0x0;
	s16 =	simm.s32 @!p2 $0x2;
	[sflag:s15] =	ssyncadd.s32 @!p1 $0xFFFFC000  }
0x2f: {  	[tilespmem:s13], [sflag:$0x2] =	stream.linear.gather @!p2 [hbm4b:s14+s13], $0x80, $0x38;
	[tilespmem:$0x17900] =	vst v63  }
0x30: {  	_ =	swait.ge @!p2 [sflag:s16], $0x80  }
0x31: {  	p1 =	por p2, p2;
	[sflag:s16] =	ssyncset.done @!p2 $0x0  }
0x32: {  	s14 =	simm.s32 @!p1 $0x80;
	[sflag:s16] =	ssyncadd.s32 @!p1 $0xFFFFFF80  }
0x33: {  	[tilespmem:s14], [sflag:$0x2] =	stream.linear.gather @!p1 [hbm4b:s12+s13], $0x4000, $0x38;
	[tilespmem:$0x17900] =	vst v63  }
0x34: {  	_ =	swait.ge @!p1 [sflag:s16], $0x4000  }
0x35: {  	[sflag:s16] =	ssyncset.done @!p1 $0x0  }
0x36: {  	s12 =	simm.s32 @!p1 $0x1;
	[sflag:s16] =	ssyncadd.s32 @!p1 $0xFFFFC000  }
0x37: {  	[spmem:s1] =	stream.indirect.scatter.add.f32 @!p1 [tilespmem:s14], [sflag:$0x1], $0x80, s13, s14, $0xb8;
	[tilespmem:$0x17900] =	vst v63  }
0x38: {  	_ =	swait.ge @!p1 [sflag:s12], $0x4000  }
0x39: {  	s3 =	sadd.s32 $0x1, s3;
	[sflag:s12] =	ssyncset.done @!p1 $0x0  }
0x3a: {  	[sflag:s12] =	ssyncadd.s32 @!p1 $0xFFFFC000;
	p1 =	sne.s32 s3, s6  }
.Ltmp1:
0x3b: {  	s12 =	simm.s32 @!p0 $0x1;
	[bflag:$0x0] =	sbarrier.arrive $0xFFFF;
	(pc) =	sbr.rel @p1 .LBB2_1-.Ltmp1, $4  }
0x3c: {  	[hbm:s5], [sflag:s10] =	dma.local @!p0 [spmem:s11], $0x3E80  }
0x3d: {  	_ =	swait.ge @!p0 [sflag:s12], $0x3E80  }
0x3e: {  	[sflag:s12] =	ssyncset.done @!p0 $0x0  }
0x3f: {  	[sflag:s12] =	ssyncadd.s32 @!p0 $0xFFFFC180  }
0x40: {  	_ =	sfence.sel $0x180000  }
0x41: {  	[bflag:$0x0] =	sbarrier.arrive $0xFFFF  }
0x42: {  	p0 =	sne.s32 s2, $0x0;
	_ =	strace $0x90000047  }
0x43: {  	s0 =	sadd.s32 @!p0 $0x100000, s0;
	[bflag:$0x2] =	sbarrier.arrive $0xFFFF  }
0x44: {  	[sflag:s0] =	ssyncadd.tile.s32 @!p0 $0x1;
	_ =	shalt  }
.Lfunc_end2:
_tile_overlayer_lowered:
.L_overlay_start_2:
0x45: {  	(tag) =	ssettag $0x2  }
0x46: {  	s0 =	rddreg [dreg:$0x0];
	s2 =	stileid.u32  }
0x47: {  	s1 =	rddreg [dreg:$0x1];
	p0 =	sne.s32 s2, $0x0  }
0x48: {  	s3 =	rddreg [dreg:$0x2];
	[bflag:$0x3] =	sbarrier.arrive $0xFFFF;
	s2 =	simm.s32 @!p0 $0x1C01  }
0x49: {  	[timem:s3], [sflag:s2] =	dma.local @!p0 [hbm:s0], s1  }
0x4a: {  	s0 =	simm.s32 @!p0 $0x1  }
0x4b: {  	_ =	swait.ge @!p0 [sflag:s0], s1  }
0x4c: {  	s1 =	ssub.s32 @!p0 $0x0, s1;
	[sflag:s0] =	ssyncset.done @!p0 $0x0  }
0x4d: {  	[sflag:s0] =	ssyncadd.s32 @!p0 s1  }
0x4e: {  	[bflag:$0x3] =	sbarrier.arrive $0xFFFF  }
0x4f: {  	_ =	shalt  }

</sc_bundles>
